<compile_context>
chip_gen: v7x
topology: tpu7x:2x2x1
jax: 0.10.2.dev20260603
libtpu: 0.0.44.dev20260713+nightly
codegen_flags: <defaults>
</compile_context>

<pallas_src>
import functools

import jax
import jax.numpy as jnp
from jax import lax
from jax.experimental import pallas as pl
from jax.experimental.pallas import tpu as pltpu
from jax.experimental.pallas import tpu_sc as plsc

VOCAB = 1000000
EMBED_DIM = 32
BATCH = 4096
HIST_LEN = 200

NUM_CORES = 2
NUM_SUBCORES = 16
NUM_WORKERS = NUM_CORES * NUM_SUBCORES

TOTAL = BATCH * HIST_LEN
B_PER_W = TOTAL // NUM_WORKERS
CHUNK = 640
N_CHUNKS = B_PER_W // CHUNK
NBUF = 4
AHEAD = 2


def _make_kernel():
    mesh = plsc.VectorSubcoreMesh(
        core_axis_name="c", subcore_axis_name="s",
        num_cores=NUM_CORES, num_subcores=NUM_SUBCORES,
    )

    @functools.partial(
        pl.kernel,
        out_type=jax.ShapeDtypeStruct((TOTAL, EMBED_DIM), jnp.float32),
        mesh=mesh,
        scratch_types=[
            pltpu.VMEM((B_PER_W,), jnp.int32),
            pltpu.VMEM((NBUF, CHUNK, EMBED_DIM), jnp.float32),
            [pltpu.SemaphoreType.DMA] * NBUF,
            [pltpu.SemaphoreType.DMA] * NBUF,
        ],
        compiler_params=pltpu.CompilerParams(use_tc_tiling_on_sc=False),
    )
    def emb_kernel(idx_hbm, table_hbm, out_hbm, idx_v, rows_v, gsems, osems):
        wid = lax.axis_index("s") * NUM_CORES + lax.axis_index("c")
        base = wid * B_PER_W
        pltpu.sync_copy(idx_hbm.at[pl.ds(base, B_PER_W)], idx_v)

        def gcopy(c, b):
            return pltpu.make_async_copy(
                table_hbm.at[idx_v.at[pl.ds(c * CHUNK, CHUNK)]],
                rows_v.at[b], gsems[b],
            )

        def gstart(c, b):
            gcopy(c, b).start()

        def gwait(c, b):
            gcopy(c, b).wait()

        def ocopy(c, b):
            return pltpu.make_async_copy(
                rows_v.at[b],
                out_hbm.at[pl.ds(base + c * CHUNK, CHUNK)], osems[b],
            )

        def ostart(c, b):
            ocopy(c, b).start()

        def owait(c, b):
            ocopy(c, b).wait()

        def step(c, b):
            gwait(c, b)
            ostart(c, b)
            b2 = (b + AHEAD) % NBUF
            owait(c - AHEAD, b2)
            gstart(c + AHEAD, b2)

        gstart(0, 0)
        gstart(1, 1)
        gwait(0, 0); ostart(0, 0); gstart(2, 2)
        gwait(1, 1); ostart(1, 1); gstart(3, 3)
        gwait(2, 2); ostart(2, 2); owait(0, 0); gstart(4, 0)
        gwait(3, 3); ostart(3, 3); owait(1, 1); gstart(5, 1)

        def group(g, carry):
            c0 = g * NBUF
            for b in range(NBUF):
                step(c0 + b, b)
            return carry

        lax.fori_loop(1, N_CHUNKS // NBUF - 1, group, 0)

        c = N_CHUNKS - NBUF
        gwait(c + 0, 0); ostart(c + 0, 0); owait(c - 2, 2); gstart(c + 2, 2)
        gwait(c + 1, 1); ostart(c + 1, 1); owait(c - 1, 3); gstart(c + 3, 3)
        gwait(c + 2, 2); ostart(c + 2, 2)
        gwait(c + 3, 3); ostart(c + 3, 3)
        owait(c + 0, 0); owait(c + 1, 1); owait(c + 2, 2); owait(c + 3, 3)

    return emb_kernel


_emb_kernel = _make_kernel()


def kernel(x, embedding_matrix):
    flat_idx = x.reshape(-1).astype(jnp.int32)
    out = _emb_kernel(flat_idx, embedding_matrix)
    return out.reshape(BATCH, HIST_LEN, EMBED_DIM)

# --- scband reference (transcript-rebuilt; emitter-appended) ---
"""Pipeline reference for scband-embedding-pre-trained-47760036331655 (READ-ONLY COPY).

The authoritative reference and input builder live on the scoring server;
editing this copy changes nothing except your own understanding.
"""

import jax, jax.numpy as jnp
import numpy as np

VOCAB = 1000000
EMBED_DIM = 32
BATCH = 4096
HIST_LEN = 200

def setup_inputs(seed: int = 0) -> dict:
    key = jax.random.key(seed)
    k_idx, k_tab = jax.random.split(key)
    x = jax.random.randint(k_idx, (BATCH, HIST_LEN), 0, VOCAB, dtype=jnp.int64 if jax.config.jax_enable_x64 else jnp.int32)
    embedding_matrix = jax.random.normal(k_tab, (VOCAB, EMBED_DIM), dtype=jnp.float32)
    return {"x": x, "embedding_matrix": embedding_matrix}

def reference(x, embedding_matrix):
    # Faithful to nn.Embedding.from_pretrained(...)(x): row gather from table.
    return jnp.take(embedding_matrix, x, axis=0)

if __name__ == "__main__":
    import jax
    _d = setup_inputs()
    print(jax.jit(kernel)(*tuple(_d.values())))

</pallas_src>

<mosaic_0001>
#map = affine_map<(d0, d1) -> (0)>
#map1 = affine_map<(d0, d1) -> (0, 0)>
module attributes {stable_mosaic.version = 14 : i64} {
  func.func @emb_kernel(%arg0: i32, %arg1: i32, %arg2: memref<819200xi32, #tpu.memory_space<hbm>>, %arg3: memref<1000000x32xf32, #tpu.memory_space<hbm>>, %arg4: memref<819200x32xf32, #tpu.memory_space<hbm>>, %arg5: memref<25600xi32, #tpu.memory_space<vmem>>, %arg6: memref<4x640x32xf32, #tpu.memory_space<vmem>>, %arg7: memref<!tpu.dma_semaphore, #tpu.memory_space<semaphore_mem>>, %arg8: memref<!tpu.dma_semaphore, #tpu.memory_space<semaphore_mem>>, %arg9: memref<!tpu.dma_semaphore, #tpu.memory_space<semaphore_mem>>, %arg10: memref<!tpu.dma_semaphore, #tpu.memory_space<semaphore_mem>>, %arg11: memref<!tpu.dma_semaphore, #tpu.memory_space<semaphore_mem>>, %arg12: memref<!tpu.dma_semaphore, #tpu.memory_space<semaphore_mem>>, %arg13: memref<!tpu.dma_semaphore, #tpu.memory_space<semaphore_mem>>, %arg14: memref<!tpu.dma_semaphore, #tpu.memory_space<semaphore_mem>>) attributes {dimension_semantics = [#tpu.dimension_semantics<core_parallel>, #tpu.dimension_semantics<subcore_parallel>], iteration_bounds = array<i64: 2, 16>, scalar_prefetch = 0 : i64, scratch_operands = 10 : i64, tpu.core_type = #tpu.core_type<sc_vector_subcore>, window_params = [{transform_indices = #map}, {transform_indices = #map1}, {transform_indices = #map1}]} {
    %mul3A = arith.constant 2 : i32
    %mul3A_0 = arith.muli %arg1, %mul3A : i32
    %add3A = arith.addi %mul3A_0, %arg0 : i32
    %mul3A_1 = arith.constant 25600 : i32
    %mul3A_2 = arith.muli %add3A, %mul3A_1 : i32
    "tpu.region"() ({
      %run_scoped3A = tpu.sem_alloc : memref<!tpu.dma_semaphore, #tpu.memory_space<semaphore_mem>>
      %dma_start3A_406 = tpu.memref_slice %arg2[%mul3A_2] : memref<819200xi32, #tpu.memory_space<hbm>> -> memref<25600xi32, #tpu.memory_space<hbm>>
      %dma_start3A_407 = tpu.memref_slice %arg2[%mul3A_2] : memref<819200xi32, #tpu.memory_space<hbm>> -> memref<25600xi32, #tpu.memory_space<hbm>>
      tpu.enqueue_dma source(%dma_start3A_407 : memref<25600xi32, #tpu.memory_space<hbm>>) target(%arg5 : memref<25600xi32, #tpu.memory_space<vmem>>) target_semaphore(%run_scoped3A : memref<!tpu.dma_semaphore, #tpu.memory_space<semaphore_mem>>)
      %dma_wait3A_408 = tpu.memref_slice %arg2[%mul3A_2] : memref<819200xi32, #tpu.memory_space<hbm>> -> memref<25600xi32, #tpu.memory_space<hbm>>
      %dma_wait3A_409 = tpu.memref_slice %arg2[%mul3A_2] : memref<819200xi32, #tpu.memory_space<hbm>> -> memref<25600xi32, #tpu.memory_space<hbm>>
      tpu.wait_dma2 semaphore(%run_scoped3A : memref<!tpu.dma_semaphore, #tpu.memory_space<semaphore_mem>>) src(%dma_wait3A_409 : memref<25600xi32, #tpu.memory_space<hbm>>) dst(%arg5 : memref<25600xi32, #tpu.memory_space<vmem>>)
      tpu.yield
    }) : () -> ()
    %dma_start3A = arith.constant 0 : i32
    %dma_start3A_3 = arith.constant 0 : i32
    %dma_start3A_4 = arith.constant 0 : i32
    %dma_start3A_5 = tpu.memref_slice %arg6[%dma_start3A, %dma_start3A_3, %dma_start3A_4] : memref<4x640x32xf32, #tpu.memory_space<vmem>> -> memref<1x640x32xf32, #tpu.memory_space<vmem>>
    %dma_start3A_6 = tpu.memref_squeeze %dma_start3A_5 : memref<1x640x32xf32, #tpu.memory_space<vmem>> -> memref<640x32xf32, #tpu.memory_space<vmem>>
    %dma_start3A_7 = arith.constant 0 : i32
    %dma_start3A_8 = tpu.memref_slice %arg5[%dma_start3A_7] : memref<25600xi32, #tpu.memory_space<vmem>> -> memref<640xi32, #tpu.memory_space<vmem>>
    %dma_start3A_9 = arith.constant 0 : i32
    %dma_start3A_10 = arith.constant 0 : i32
    %dma_start3A_11 = tpu.memref_slice %arg3[%dma_start3A_9, %dma_start3A_10] : memref<1000000x32xf32, #tpu.memory_space<hbm>> -> memref<1000000x32xf32, #tpu.memory_space<hbm>>
    tpu.enqueue_indirect_dma source(%dma_start3A_11 : memref<1000000x32xf32, #tpu.memory_space<hbm>>) target(%dma_start3A_6 : memref<640x32xf32, #tpu.memory_space<vmem>>) offsets(%dma_start3A_8 : memref<640xi32, #tpu.memory_space<vmem>>) semaphore(%arg7 : memref<!tpu.dma_semaphore, #tpu.memory_space<semaphore_mem>>)
    %dma_start3A_12 = arith.constant 1 : i32
    %dma_start3A_13 = arith.constant 0 : i32
    %dma_start3A_14 = arith.constant 0 : i32
    %dma_start3A_15 = tpu.memref_slice %arg6[%dma_start3A_12, %dma_start3A_13, %dma_start3A_14] : memref<4x640x32xf32, #tpu.memory_space<vmem>> -> memref<1x640x32xf32, #tpu.memory_space<vmem>>
    %dma_start3A_16 = tpu.memref_squeeze %dma_start3A_15 : memref<1x640x32xf32, #tpu.memory_space<vmem>> -> memref<640x32xf32, #tpu.memory_space<vmem>>
    %dma_start3A_17 = arith.constant 640 : i32
    %dma_start3A_18 = tpu.memref_slice %arg5[%dma_start3A_17] : memref<25600xi32, #tpu.memory_space<vmem>> -> memref<640xi32, #tpu.memory_space<vmem>>
    %dma_start3A_19 = arith.constant 0 : i32
    %dma_start3A_20 = arith.constant 0 : i32
    %dma_start3A_21 = tpu.memref_slice %arg3[%dma_start3A_19, %dma_start3A_20] : memref<1000000x32xf32, #tpu.memory_space<hbm>> -> memref<1000000x32xf32, #tpu.memory_space<hbm>>
    tpu.enqueue_indirect_dma source(%dma_start3A_21 : memref<1000000x32xf32, #tpu.memory_space<hbm>>) target(%dma_start3A_16 : memref<640x32xf32, #tpu.memory_space<vmem>>) offsets(%dma_start3A_18 : memref<640xi32, #tpu.memory_space<vmem>>) semaphore(%arg8 : memref<!tpu.dma_semaphore, #tpu.memory_space<semaphore_mem>>)
    %dma_wait3A = arith.constant 0 : i32
    %dma_wait3A_22 = arith.constant 0 : i32
    %dma_wait3A_23 = arith.constant 0 : i32
    %dma_wait3A_24 = tpu.memref_slice %arg6[%dma_wait3A, %dma_wait3A_22, %dma_wait3A_23] : memref<4x640x32xf32, #tpu.memory_space<vmem>> -> memref<1x640x32xf32, #tpu.memory_space<vmem>>
    %dma_wait3A_25 = tpu.memref_squeeze %dma_wait3A_24 : memref<1x640x32xf32, #tpu.memory_space<vmem>> -> memref<640x32xf32, #tpu.memory_space<vmem>>
    %dma_wait3A_26 = arith.constant 0 : i32
    %dma_wait3A_27 = tpu.memref_slice %arg5[%dma_wait3A_26] : memref<25600xi32, #tpu.memory_space<vmem>> -> memref<640xi32, #tpu.memory_space<vmem>>
    %dma_wait3A_28 = arith.constant 0 : i32
    %dma_wait3A_29 = arith.constant 0 : i32
    %dma_wait3A_30 = tpu.memref_slice %arg3[%dma_wait3A_28, %dma_wait3A_29] : memref<1000000x32xf32, #tpu.memory_space<hbm>> -> memref<1000000x32xf32, #tpu.memory_space<hbm>>
    tpu.wait_indirect_dma semaphore(%arg7 : memref<!tpu.dma_semaphore, #tpu.memory_space<semaphore_mem>>) src(%dma_wait3A_30 : memref<1000000x32xf32, #tpu.memory_space<hbm>>) dst(%dma_wait3A_25 : memref<640x32xf32, #tpu.memory_space<vmem>>)
    %add3A_31 = arith.constant 0 : i32
    %add3A_32 = arith.addi %mul3A_2, %add3A_31 : i32
    %dma_start3A_33 = arith.constant 0 : i32
    %dma_start3A_34 = arith.constant 0 : i32
    %dma_start3A_35 = arith.constant 0 : i32
    %dma_start3A_36 = tpu.memref_slice %arg6[%dma_start3A_33, %dma_start3A_34, %dma_start3A_35] : memref<4x640x32xf32, #tpu.memory_space<vmem>> -> memref<1x640x32xf32, #tpu.memory_space<vmem>>
    %dma_start3A_37 = tpu.memref_squeeze %dma_start3A_36 : memref<1x640x32xf32, #tpu.memory_space<vmem>> -> memref<640x32xf32, #tpu.memory_space<vmem>>
    %dma_start3A_38 = arith.constant 0 : i32
    %dma_start3A_39 = tpu.memref_slice %arg4[%add3A_32, %dma_start3A_38] : memref<819200x32xf32, #tpu.memory_space<hbm>> -> memref<640x32xf32, #tpu.memory_space<hbm>>
    %dma_start3A_40 = arith.constant 0 : i32
    %dma_start3A_41 = tpu.memref_slice %arg4[%add3A_32, %dma_start3A_40] : memref<819200x32xf32, #tpu.memory_space<hbm>> -> memref<640x32xf32, #tpu.memory_space<hbm>>
    %dma_start3A_42 = arith.constant 0 : i32
    %dma_start3A_43 = arith.constant 0 : i32
    %dma_start3A_44 = tpu.memref_slice %arg6[%dma_start3A_33, %dma_start3A_42, %dma_start3A_43] : memref<4x640x32xf32, #tpu.memory_space<vmem>> -> memref<1x640x32xf32, #tpu.memory_space<vmem>>
    %dma_start3A_45 = tpu.memref_squeeze %dma_start3A_44 : memref<1x640x32xf32, #tpu.memory_space<vmem>> -> memref<640x32xf32, #tpu.memory_space<vmem>>
    tpu.enqueue_dma source(%dma_start3A_45 : memref<640x32xf32, #tpu.memory_space<vmem>>) target(%dma_start3A_41 : memref<640x32xf32, #tpu.memory_space<hbm>>) target_semaphore(%arg11 : memref<!tpu.dma_semaphore, #tpu.memory_space<semaphore_mem>>)
    %dma_start3A_46 = arith.constant 2 : i32
    %dma_start3A_47 = arith.constant 0 : i32
    %dma_start3A_48 = arith.constant 0 : i32
    %dma_start3A_49 = tpu.memref_slice %arg6[%dma_start3A_46, %dma_start3A_47, %dma_start3A_48] : memref<4x640x32xf32, #tpu.memory_space<vmem>> -> memref<1x640x32xf32, #tpu.memory_space<vmem>>
    %dma_start3A_50 = tpu.memref_squeeze %dma_start3A_49 : memref<1x640x32xf32, #tpu.memory_space<vmem>> -> memref<640x32xf32, #tpu.memory_space<vmem>>
    %dma_start3A_51 = arith.constant 1280 : i32
    %dma_start3A_52 = tpu.memref_slice %arg5[%dma_start3A_51] : memref<25600xi32, #tpu.memory_space<vmem>> -> memref<640xi32, #tpu.memory_space<vmem>>
    %dma_start3A_53 = arith.constant 0 : i32
    %dma_start3A_54 = arith.constant 0 : i32
    %dma_start3A_55 = tpu.memref_slice %arg3[%dma_start3A_53, %dma_start3A_54] : memref<1000000x32xf32, #tpu.memory_space<hbm>> -> memref<1000000x32xf32, #tpu.memory_space<hbm>>
    tpu.enqueue_indirect_dma source(%dma_start3A_55 : memref<1000000x32xf32, #tpu.memory_space<hbm>>) target(%dma_start3A_50 : memref<640x32xf32, #tpu.memory_space<vmem>>) offsets(%dma_start3A_52 : memref<640xi32, #tpu.memory_space<vmem>>) semaphore(%arg9 : memref<!tpu.dma_semaphore, #tpu.memory_space<semaphore_mem>>)
    %dma_wait3A_56 = arith.constant 1 : i32
    %dma_wait3A_57 = arith.constant 0 : i32
    %dma_wait3A_58 = arith.constant 0 : i32
    %dma_wait3A_59 = tpu.memref_slice %arg6[%dma_wait3A_56, %dma_wait3A_57, %dma_wait3A_58] : memref<4x640x32xf32, #tpu.memory_space<vmem>> -> memref<1x640x32xf32, #tpu.memory_space<vmem>>
    %dma_wait3A_60 = tpu.memref_squeeze %dma_wait3A_59 : memref<1x640x32xf32, #tpu.memory_space<vmem>> -> memref<640x32xf32, #tpu.memory_space<vmem>>
    %dma_wait3A_61 = arith.constant 640 : i32
    %dma_wait3A_62 = tpu.memref_slice %arg5[%dma_wait3A_61] : memref<25600xi32, #tpu.memory_space<vmem>> -> memref<640xi32, #tpu.memory_space<vmem>>
    %dma_wait3A_63 = arith.constant 0 : i32
    %dma_wait3A_64 = arith.constant 0 : i32
    %dma_wait3A_65 = tpu.memref_slice %arg3[%dma_wait3A_63, %dma_wait3A_64] : memref<1000000x32xf32, #tpu.memory_space<hbm>> -> memref<1000000x32xf32, #tpu.memory_space<hbm>>
    tpu.wait_indirect_dma semaphore(%arg8 : memref<!tpu.dma_semaphore, #tpu.memory_space<semaphore_mem>>) src(%dma_wait3A_65 : memref<1000000x32xf32, #tpu.memory_space<hbm>>) dst(%dma_wait3A_60 : memref<640x32xf32, #tpu.memory_space<vmem>>)
    %add3A_66 = arith.constant 640 : i32
    %add3A_67 = arith.addi %mul3A_2, %add3A_66 : i32
    %dma_start3A_68 = arith.constant 1 : i32
    %dma_start3A_69 = arith.constant 0 : i32
    %dma_start3A_70 = arith.constant 0 : i32
    %dma_start3A_71 = tpu.memref_slice %arg6[%dma_start3A_68, %dma_start3A_69, %dma_start3A_70] : memref<4x640x32xf32, #tpu.memory_space<vmem>> -> memref<1x640x32xf32, #tpu.memory_space<vmem>>
    %dma_start3A_72 = tpu.memref_squeeze %dma_start3A_71 : memref<1x640x32xf32, #tpu.memory_space<vmem>> -> memref<640x32xf32, #tpu.memory_space<vmem>>
    %dma_start3A_73 = arith.constant 0 : i32
    %dma_start3A_74 = tpu.memref_slice %arg4[%add3A_67, %dma_start3A_73] : memref<819200x32xf32, #tpu.memory_space<hbm>> -> memref<640x32xf32, #tpu.memory_space<hbm>>
    %dma_start3A_75 = arith.constant 0 : i32
    %dma_start3A_76 = tpu.memref_slice %arg4[%add3A_67, %dma_start3A_75] : memref<819200x32xf32, #tpu.memory_space<hbm>> -> memref<640x32xf32, #tpu.memory_space<hbm>>
    %dma_start3A_77 = arith.constant 0 : i32
    %dma_start3A_78 = arith.constant 0 : i32
    %dma_start3A_79 = tpu.memref_slice %arg6[%dma_start3A_68, %dma_start3A_77, %dma_start3A_78] : memref<4x640x32xf32, #tpu.memory_space<vmem>> -> memref<1x640x32xf32, #tpu.memory_space<vmem>>
    %dma_start3A_80 = tpu.memref_squeeze %dma_start3A_79 : memref<1x640x32xf32, #tpu.memory_space<vmem>> -> memref<640x32xf32, #tpu.memory_space<vmem>>
    tpu.enqueue_dma source(%dma_start3A_80 : memref<640x32xf32, #tpu.memory_space<vmem>>) target(%dma_start3A_76 : memref<640x32xf32, #tpu.memory_space<hbm>>) target_semaphore(%arg12 : memref<!tpu.dma_semaphore, #tpu.memory_space<semaphore_mem>>)
    %dma_start3A_81 = arith.constant 3 : i32
    %dma_start3A_82 = arith.constant 0 : i32
    %dma_start3A_83 = arith.constant 0 : i32
    %dma_start3A_84 = tpu.memref_slice %arg6[%dma_start3A_81, %dma_start3A_82, %dma_start3A_83] : memref<4x640x32xf32, #tpu.memory_space<vmem>> -> memref<1x640x32xf32, #tpu.memory_space<vmem>>
    %dma_start3A_85 = tpu.memref_squeeze %dma_start3A_84 : memref<1x640x32xf32, #tpu.memory_space<vmem>> -> memref<640x32xf32, #tpu.memory_space<vmem>>
    %dma_start3A_86 = arith.constant 1920 : i32
    %dma_start3A_87 = tpu.memref_slice %arg5[%dma_start3A_86] : memref<25600xi32, #tpu.memory_space<vmem>> -> memref<640xi32, #tpu.memory_space<vmem>>
    %dma_start3A_88 = arith.constant 0 : i32
    %dma_start3A_89 = arith.constant 0 : i32
    %dma_start3A_90 = tpu.memref_slice %arg3[%dma_start3A_88, %dma_start3A_89] : memref<1000000x32xf32, #tpu.memory_space<hbm>> -> memref<1000000x32xf32, #tpu.memory_space<hbm>>
    tpu.enqueue_indirect_dma source(%dma_start3A_90 : memref<1000000x32xf32, #tpu.memory_space<hbm>>) target(%dma_start3A_85 : memref<640x32xf32, #tpu.memory_space<vmem>>) offsets(%dma_start3A_87 : memref<640xi32, #tpu.memory_space<vmem>>) semaphore(%arg10 : memref<!tpu.dma_semaphore, #tpu.memory_space<semaphore_mem>>)
    %dma_wait3A_91 = arith.constant 2 : i32
    %dma_wait3A_92 = arith.constant 0 : i32
    %dma_wait3A_93 = arith.constant 0 : i32
    %dma_wait3A_94 = tpu.memref_slice %arg6[%dma_wait3A_91, %dma_wait3A_92, %dma_wait3A_93] : memref<4x640x32xf32, #tpu.memory_space<vmem>> -> memref<1x640x32xf32, #tpu.memory_space<vmem>>
    %dma_wait3A_95 = tpu.memref_squeeze %dma_wait3A_94 : memref<1x640x32xf32, #tpu.memory_space<vmem>> -> memref<640x32xf32, #tpu.memory_space<vmem>>
    %dma_wait3A_96 = arith.constant 1280 : i32
    %dma_wait3A_97 = tpu.memref_slice %arg5[%dma_wait3A_96] : memref<25600xi32, #tpu.memory_space<vmem>> -> memref<640xi32, #tpu.memory_space<vmem>>
    %dma_wait3A_98 = arith.constant 0 : i32
    %dma_wait3A_99 = arith.constant 0 : i32
    %dma_wait3A_100 = tpu.memref_slice %arg3[%dma_wait3A_98, %dma_wait3A_99] : memref<1000000x32xf32, #tpu.memory_space<hbm>> -> memref<1000000x32xf32, #tpu.memory_space<hbm>>
    tpu.wait_indirect_dma semaphore(%arg9 : memref<!tpu.dma_semaphore, #tpu.memory_space<semaphore_mem>>) src(%dma_wait3A_100 : memref<1000000x32xf32, #tpu.memory_space<hbm>>) dst(%dma_wait3A_95 : memref<640x32xf32, #tpu.memory_space<vmem>>)
    %add3A_101 = arith.constant 1280 : i32
    %add3A_102 = arith.addi %mul3A_2, %add3A_101 : i32
    %dma_start3A_103 = arith.constant 2 : i32
    %dma_start3A_104 = arith.constant 0 : i32
    %dma_start3A_105 = arith.constant 0 : i32
    %dma_start3A_106 = tpu.memref_slice %arg6[%dma_start3A_103, %dma_start3A_104, %dma_start3A_105] : memref<4x640x32xf32, #tpu.memory_space<vmem>> -> memref<1x640x32xf32, #tpu.memory_space<vmem>>
    %dma_start3A_107 = tpu.memref_squeeze %dma_start3A_106 : memref<1x640x32xf32, #tpu.memory_space<vmem>> -> memref<640x32xf32, #tpu.memory_space<vmem>>
    %dma_start3A_108 = arith.constant 0 : i32
    %dma_start3A_109 = tpu.memref_slice %arg4[%add3A_102, %dma_start3A_108] : memref<819200x32xf32, #tpu.memory_space<hbm>> -> memref<640x32xf32, #tpu.memory_space<hbm>>
    %dma_start3A_110 = arith.constant 0 : i32
    %dma_start3A_111 = tpu.memref_slice %arg4[%add3A_102, %dma_start3A_110] : memref<819200x32xf32, #tpu.memory_space<hbm>> -> memref<640x32xf32, #tpu.memory_space<hbm>>
    %dma_start3A_112 = arith.constant 0 : i32
    %dma_start3A_113 = arith.constant 0 : i32
    %dma_start3A_114 = tpu.memref_slice %arg6[%dma_start3A_103, %dma_start3A_112, %dma_start3A_113] : memref<4x640x32xf32, #tpu.memory_space<vmem>> -> memref<1x640x32xf32, #tpu.memory_space<vmem>>
    %dma_start3A_115 = tpu.memref_squeeze %dma_start3A_114 : memref<1x640x32xf32, #tpu.memory_space<vmem>> -> memref<640x32xf32, #tpu.memory_space<vmem>>
    tpu.enqueue_dma source(%dma_start3A_115 : memref<640x32xf32, #tpu.memory_space<vmem>>) target(%dma_start3A_111 : memref<640x32xf32, #tpu.memory_space<hbm>>) target_semaphore(%arg13 : memref<!tpu.dma_semaphore, #tpu.memory_space<semaphore_mem>>)
    %add3A_116 = arith.constant 0 : i32
    %add3A_117 = arith.addi %mul3A_2, %add3A_116 : i32
    %dma_wait3A_118 = arith.constant 0 : i32
    %dma_wait3A_119 = arith.constant 0 : i32
    %dma_wait3A_120 = arith.constant 0 : i32
    %dma_wait3A_121 = tpu.memref_slice %arg6[%dma_wait3A_118, %dma_wait3A_119, %dma_wait3A_120] : memref<4x640x32xf32, #tpu.memory_space<vmem>> -> memref<1x640x32xf32, #tpu.memory_space<vmem>>
    %dma_wait3A_122 = tpu.memref_squeeze %dma_wait3A_121 : memref<1x640x32xf32, #tpu.memory_space<vmem>> -> memref<640x32xf32, #tpu.memory_space<vmem>>
    %dma_wait3A_123 = arith.constant 0 : i32
    %dma_wait3A_124 = tpu.memref_slice %arg4[%add3A_117, %dma_wait3A_123] : memref<819200x32xf32, #tpu.memory_space<hbm>> -> memref<640x32xf32, #tpu.memory_space<hbm>>
    %dma_wait3A_125 = arith.constant 0 : i32
    %dma_wait3A_126 = tpu.memref_slice %arg4[%add3A_117, %dma_wait3A_125] : memref<819200x32xf32, #tpu.memory_space<hbm>> -> memref<640x32xf32, #tpu.memory_space<hbm>>
    %dma_wait3A_127 = arith.constant 0 : i32
    %dma_wait3A_128 = arith.constant 0 : i32
    %dma_wait3A_129 = tpu.memref_slice %arg6[%dma_wait3A_118, %dma_wait3A_127, %dma_wait3A_128] : memref<4x640x32xf32, #tpu.memory_space<vmem>> -> memref<1x640x32xf32, #tpu.memory_space<vmem>>
    %dma_wait3A_130 = tpu.memref_squeeze %dma_wait3A_129 : memref<1x640x32xf32, #tpu.memory_space<vmem>> -> memref<640x32xf32, #tpu.memory_space<vmem>>
    tpu.wait_dma2 semaphore(%arg11 : memref<!tpu.dma_semaphore, #tpu.memory_space<semaphore_mem>>) src(%dma_wait3A_130 : memref<640x32xf32, #tpu.memory_space<vmem>>) dst(%dma_wait3A_126 : memref<640x32xf32, #tpu.memory_space<hbm>>)
    %dma_start3A_131 = arith.constant 0 : i32
    %dma_start3A_132 = arith.constant 0 : i32
    %dma_start3A_133 = arith.constant 0 : i32
    %dma_start3A_134 = tpu.memref_slice %arg6[%dma_start3A_131, %dma_start3A_132, %dma_start3A_133] : memref<4x640x32xf32, #tpu.memory_space<vmem>> -> memref<1x640x32xf32, #tpu.memory_space<vmem>>
    %dma_start3A_135 = tpu.memref_squeeze %dma_start3A_134 : memref<1x640x32xf32, #tpu.memory_space<vmem>> -> memref<640x32xf32, #tpu.memory_space<vmem>>
    %dma_start3A_136 = arith.constant 2560 : i32
    %dma_start3A_137 = tpu.memref_slice %arg5[%dma_start3A_136] : memref<25600xi32, #tpu.memory_space<vmem>> -> memref<640xi32, #tpu.memory_space<vmem>>
    %dma_start3A_138 = arith.constant 0 : i32
    %dma_start3A_139 = arith.constant 0 : i32
    %dma_start3A_140 = tpu.memref_slice %arg3[%dma_start3A_138, %dma_start3A_139] : memref<1000000x32xf32, #tpu.memory_space<hbm>> -> memref<1000000x32xf32, #tpu.memory_space<hbm>>
    tpu.enqueue_indirect_dma source(%dma_start3A_140 : memref<1000000x32xf32, #tpu.memory_space<hbm>>) target(%dma_start3A_135 : memref<640x32xf32, #tpu.memory_space<vmem>>) offsets(%dma_start3A_137 : memref<640xi32, #tpu.memory_space<vmem>>) semaphore(%arg7 : memref<!tpu.dma_semaphore, #tpu.memory_space<semaphore_mem>>)
    %dma_wait3A_141 = arith.constant 3 : i32
    %dma_wait3A_142 = arith.constant 0 : i32
    %dma_wait3A_143 = arith.constant 0 : i32
    %dma_wait3A_144 = tpu.memref_slice %arg6[%dma_wait3A_141, %dma_wait3A_142, %dma_wait3A_143] : memref<4x640x32xf32, #tpu.memory_space<vmem>> -> memref<1x640x32xf32, #tpu.memory_space<vmem>>
    %dma_wait3A_145 = tpu.memref_squeeze %dma_wait3A_144 : memref<1x640x32xf32, #tpu.memory_space<vmem>> -> memref<640x32xf32, #tpu.memory_space<vmem>>
    %dma_wait3A_146 = arith.constant 1920 : i32
    %dma_wait3A_147 = tpu.memref_slice %arg5[%dma_wait3A_146] : memref<25600xi32, #tpu.memory_space<vmem>> -> memref<640xi32, #tpu.memory_space<vmem>>
    %dma_wait3A_148 = arith.constant 0 : i32
    %dma_wait3A_149 = arith.constant 0 : i32
    %dma_wait3A_150 = tpu.memref_slice %arg3[%dma_wait3A_148, %dma_wait3A_149] : memref<1000000x32xf32, #tpu.memory_space<hbm>> -> memref<1000000x32xf32, #tpu.memory_space<hbm>>
    tpu.wait_indirect_dma semaphore(%arg10 : memref<!tpu.dma_semaphore, #tpu.memory_space<semaphore_mem>>) src(%dma_wait3A_150 : memref<1000000x32xf32, #tpu.memory_space<hbm>>) dst(%dma_wait3A_145 : memref<640x32xf32, #tpu.memory_space<vmem>>)
    %add3A_151 = arith.constant 1920 : i32
    %add3A_152 = arith.addi %mul3A_2, %add3A_151 : i32
    %dma_start3A_153 = arith.constant 3 : i32
    %dma_start3A_154 = arith.constant 0 : i32
    %dma_start3A_155 = arith.constant 0 : i32
    %dma_start3A_156 = tpu.memref_slice %arg6[%dma_start3A_153, %dma_start3A_154, %dma_start3A_155] : memref<4x640x32xf32, #tpu.memory_space<vmem>> -> memref<1x640x32xf32, #tpu.memory_space<vmem>>
    %dma_start3A_157 = tpu.memref_squeeze %dma_start3A_156 : memref<1x640x32xf32, #tpu.memory_space<vmem>> -> memref<640x32xf32, #tpu.memory_space<vmem>>
    %dma_start3A_158 = arith.constant 0 : i32
    %dma_start3A_159 = tpu.memref_slice %arg4[%add3A_152, %dma_start3A_158] : memref<819200x32xf32, #tpu.memory_space<hbm>> -> memref<640x32xf32, #tpu.memory_space<hbm>>
    %dma_start3A_160 = arith.constant 0 : i32
    %dma_start3A_161 = tpu.memref_slice %arg4[%add3A_152, %dma_start3A_160] : memref<819200x32xf32, #tpu.memory_space<hbm>> -> memref<640x32xf32, #tpu.memory_space<hbm>>
    %dma_start3A_162 = arith.constant 0 : i32
    %dma_start3A_163 = arith.constant 0 : i32
    %dma_start3A_164 = tpu.memref_slice %arg6[%dma_start3A_153, %dma_start3A_162, %dma_start3A_163] : memref<4x640x32xf32, #tpu.memory_space<vmem>> -> memref<1x640x32xf32, #tpu.memory_space<vmem>>
    %dma_start3A_165 = tpu.memref_squeeze %dma_start3A_164 : memref<1x640x32xf32, #tpu.memory_space<vmem>> -> memref<640x32xf32, #tpu.memory_space<vmem>>
    tpu.enqueue_dma source(%dma_start3A_165 : memref<640x32xf32, #tpu.memory_space<vmem>>) target(%dma_start3A_161 : memref<640x32xf32, #tpu.memory_space<hbm>>) target_semaphore(%arg14 : memref<!tpu.dma_semaphore, #tpu.memory_space<semaphore_mem>>)
    %add3A_166 = arith.constant 640 : i32
    %add3A_167 = arith.addi %mul3A_2, %add3A_166 : i32
    %dma_wait3A_168 = arith.constant 1 : i32
    %dma_wait3A_169 = arith.constant 0 : i32
    %dma_wait3A_170 = arith.constant 0 : i32
    %dma_wait3A_171 = tpu.memref_slice %arg6[%dma_wait3A_168, %dma_wait3A_169, %dma_wait3A_170] : memref<4x640x32xf32, #tpu.memory_space<vmem>> -> memref<1x640x32xf32, #tpu.memory_space<vmem>>
    %dma_wait3A_172 = tpu.memref_squeeze %dma_wait3A_171 : memref<1x640x32xf32, #tpu.memory_space<vmem>> -> memref<640x32xf32, #tpu.memory_space<vmem>>
    %dma_wait3A_173 = arith.constant 0 : i32
    %dma_wait3A_174 = tpu.memref_slice %arg4[%add3A_167, %dma_wait3A_173] : memref<819200x32xf32, #tpu.memory_space<hbm>> -> memref<640x32xf32, #tpu.memory_space<hbm>>
    %dma_wait3A_175 = arith.constant 0 : i32
    %dma_wait3A_176 = tpu.memref_slice %arg4[%add3A_167, %dma_wait3A_175] : memref<819200x32xf32, #tpu.memory_space<hbm>> -> memref<640x32xf32, #tpu.memory_space<hbm>>
    %dma_wait3A_177 = arith.constant 0 : i32
    %dma_wait3A_178 = arith.constant 0 : i32
    %dma_wait3A_179 = tpu.memref_slice %arg6[%dma_wait3A_168, %dma_wait3A_177, %dma_wait3A_178] : memref<4x640x32xf32, #tpu.memory_space<vmem>> -> memref<1x640x32xf32, #tpu.memory_space<vmem>>
    %dma_wait3A_180 = tpu.memref_squeeze %dma_wait3A_179 : memref<1x640x32xf32, #tpu.memory_space<vmem>> -> memref<640x32xf32, #tpu.memory_space<vmem>>
    tpu.wait_dma2 semaphore(%arg12 : memref<!tpu.dma_semaphore, #tpu.memory_space<semaphore_mem>>) src(%dma_wait3A_180 : memref<640x32xf32, #tpu.memory_space<vmem>>) dst(%dma_wait3A_176 : memref<640x32xf32, #tpu.memory_space<hbm>>)
    %dma_start3A_181 = arith.constant 1 : i32
    %dma_start3A_182 = arith.constant 0 : i32
    %dma_start3A_183 = arith.constant 0 : i32
    %dma_start3A_184 = tpu.memref_slice %arg6[%dma_start3A_181, %dma_start3A_182, %dma_start3A_183] : memref<4x640x32xf32, #tpu.memory_space<vmem>> -> memref<1x640x32xf32, #tpu.memory_space<vmem>>
    %dma_start3A_185 = tpu.memref_squeeze %dma_start3A_184 : memref<1x640x32xf32, #tpu.memory_space<vmem>> -> memref<640x32xf32, #tpu.memory_space<vmem>>
    %dma_start3A_186 = arith.constant 3200 : i32
    %dma_start3A_187 = tpu.memref_slice %arg5[%dma_start3A_186] : memref<25600xi32, #tpu.memory_space<vmem>> -> memref<640xi32, #tpu.memory_space<vmem>>
    %dma_start3A_188 = arith.constant 0 : i32
    %dma_start3A_189 = arith.constant 0 : i32
    %dma_start3A_190 = tpu.memref_slice %arg3[%dma_start3A_188, %dma_start3A_189] : memref<1000000x32xf32, #tpu.memory_space<hbm>> -> memref<1000000x32xf32, #tpu.memory_space<hbm>>
    tpu.enqueue_indirect_dma source(%dma_start3A_190 : memref<1000000x32xf32, #tpu.memory_space<hbm>>) target(%dma_start3A_185 : memref<640x32xf32, #tpu.memory_space<vmem>>) offsets(%dma_start3A_187 : memref<640xi32, #tpu.memory_space<vmem>>) semaphore(%arg8 : memref<!tpu.dma_semaphore, #tpu.memory_space<semaphore_mem>>)
    %scan3A = arith.constant 0 : i32
    %scan3A_191 = arith.constant 1 : i32
    %scan3A_192 = arith.constant 8 : i32
    %scan3A_193 = arith.addi %scan3A_191, %scan3A_192 : i32
    %scan3A_194 = arith.constant 1 : i32
    scf.for %scan3A_406 = %scan3A_191 to %scan3A_193 step %scan3A_194  : i32 {
      %mul3A_407 = arith.constant 4 : i32
      %mul3A_408 = arith.muli %scan3A_406, %mul3A_407 : i32
      %add3A_409 = arith.constant 0 : i32
      %add3A_410 = arith.addi %mul3A_408, %add3A_409 : i32
      %mul3A_411 = arith.constant 640 : i32
      %mul3A_412 = arith.muli %add3A_410, %mul3A_411 : i32
      %dma_wait3A_413 = arith.constant 0 : i32
      %dma_wait3A_414 = arith.constant 0 : i32
      %dma_wait3A_415 = arith.constant 0 : i32
      %dma_wait3A_416 = tpu.memref_slice %arg6[%dma_wait3A_413, %dma_wait3A_414, %dma_wait3A_415] : memref<4x640x32xf32, #tpu.memory_space<vmem>> -> memref<1x640x32xf32, #tpu.memory_space<vmem>>
      %dma_wait3A_417 = tpu.memref_squeeze %dma_wait3A_416 : memref<1x640x32xf32, #tpu.memory_space<vmem>> -> memref<640x32xf32, #tpu.memory_space<vmem>>
      %dma_wait3A_418 = tpu.memref_slice %arg5[%mul3A_412] : memref<25600xi32, #tpu.memory_space<vmem>> -> memref<640xi32, #tpu.memory_space<vmem>>
      %dma_wait3A_419 = arith.constant 0 : i32
      %dma_wait3A_420 = arith.constant 0 : i32
      %dma_wait3A_421 = tpu.memref_slice %arg3[%dma_wait3A_419, %dma_wait3A_420] : memref<1000000x32xf32, #tpu.memory_space<hbm>> -> memref<1000000x32xf32, #tpu.memory_space<hbm>>
      tpu.wait_indirect_dma semaphore(%arg7 : memref<!tpu.dma_semaphore, #tpu.memory_space<semaphore_mem>>) src(%dma_wait3A_421 : memref<1000000x32xf32, #tpu.memory_space<hbm>>) dst(%dma_wait3A_417 : memref<640x32xf32, #tpu.memory_space<vmem>>)
      %mul3A_422 = arith.constant 640 : i32
      %mul3A_423 = arith.muli %add3A_410, %mul3A_422 : i32
      %add3A_424 = arith.addi %mul3A_2, %mul3A_423 : i32
      %dma_start3A_425 = arith.constant 0 : i32
      %dma_start3A_426 = arith.constant 0 : i32
      %dma_start3A_427 = arith.constant 0 : i32
      %dma_start3A_428 = tpu.memref_slice %arg6[%dma_start3A_425, %dma_start3A_426, %dma_start3A_427] : memref<4x640x32xf32, #tpu.memory_space<vmem>> -> memref<1x640x32xf32, #tpu.memory_space<vmem>>
      %dma_start3A_429 = tpu.memref_squeeze %dma_start3A_428 : memref<1x640x32xf32, #tpu.memory_space<vmem>> -> memref<640x32xf32, #tpu.memory_space<vmem>>
      %dma_start3A_430 = arith.constant 0 : i32
      %dma_start3A_431 = tpu.memref_slice %arg4[%add3A_424, %dma_start3A_430] : memref<819200x32xf32, #tpu.memory_space<hbm>> -> memref<640x32xf32, #tpu.memory_space<hbm>>
      %dma_start3A_432 = arith.constant 0 : i32
      %dma_start3A_433 = tpu.memref_slice %arg4[%add3A_424, %dma_start3A_432] : memref<819200x32xf32, #tpu.memory_space<hbm>> -> memref<640x32xf32, #tpu.memory_space<hbm>>
      %dma_start3A_434 = arith.constant 0 : i32
      %dma_start3A_435 = arith.constant 0 : i32
      %dma_start3A_436 = tpu.memref_slice %arg6[%dma_start3A_425, %dma_start3A_434, %dma_start3A_435] : memref<4x640x32xf32, #tpu.memory_space<vmem>> -> memref<1x640x32xf32, #tpu.memory_space<vmem>>
      %dma_start3A_437 = tpu.memref_squeeze %dma_start3A_436 : memref<1x640x32xf32, #tpu.memory_space<vmem>> -> memref<640x32xf32, #tpu.memory_space<vmem>>
      tpu.enqueue_dma source(%dma_start3A_437 : memref<640x32xf32, #tpu.memory_space<vmem>>) target(%dma_start3A_433 : memref<640x32xf32, #tpu.memory_space<hbm>>) target_semaphore(%arg11 : memref<!tpu.dma_semaphore, #tpu.memory_space<semaphore_mem>>)
      %sub3A = arith.constant 2 : i32
      %sub3A_438 = arith.subi %add3A_410, %sub3A : i32
      %mul3A_439 = arith.constant 640 : i32
      %mul3A_440 = arith.muli %sub3A_438, %mul3A_439 : i32
      %add3A_441 = arith.addi %mul3A_2, %mul3A_440 : i32
      %dma_wait3A_442 = arith.constant 2 : i32
      %dma_wait3A_443 = arith.constant 0 : i32
      %dma_wait3A_444 = arith.constant 0 : i32
      %dma_wait3A_445 = tpu.memref_slice %arg6[%dma_wait3A_442, %dma_wait3A_443, %dma_wait3A_444] : memref<4x640x32xf32, #tpu.memory_space<vmem>> -> memref<1x640x32xf32, #tpu.memory_space<vmem>>
      %dma_wait3A_446 = tpu.memref_squeeze %dma_wait3A_445 : memref<1x640x32xf32, #tpu.memory_space<vmem>> -> memref<640x32xf32, #tpu.memory_space<vmem>>
      %dma_wait3A_447 = arith.constant 0 : i32
      %dma_wait3A_448 = tpu.memref_slice %arg4[%add3A_441, %dma_wait3A_447] : memref<819200x32xf32, #tpu.memory_space<hbm>> -> memref<640x32xf32, #tpu.memory_space<hbm>>
      %dma_wait3A_449 = arith.constant 0 : i32
      %dma_wait3A_450 = tpu.memref_slice %arg4[%add3A_441, %dma_wait3A_449] : memref<819200x32xf32, #tpu.memory_space<hbm>> -> memref<640x32xf32, #tpu.memory_space<hbm>>
      %dma_wait3A_451 = arith.constant 0 : i32
      %dma_wait3A_452 = arith.constant 0 : i32
      %dma_wait3A_453 = tpu.memref_slice %arg6[%dma_wait3A_442, %dma_wait3A_451, %dma_wait3A_452] : memref<4x640x32xf32, #tpu.memory_space<vmem>> -> memref<1x640x32xf32, #tpu.memory_space<vmem>>
      %dma_wait3A_454 = tpu.memref_squeeze %dma_wait3A_453 : memref<1x640x32xf32, #tpu.memory_space<vmem>> -> memref<640x32xf32, #tpu.memory_space<vmem>>
      tpu.wait_dma2 semaphore(%arg13 : memref<!tpu.dma_semaphore, #tpu.memory_space<semaphore_mem>>) src(%dma_wait3A_454 : memref<640x32xf32, #tpu.memory_space<vmem>>) dst(%dma_wait3A_450 : memref<640x32xf32, #tpu.memory_space<hbm>>)
      %add3A_455 = arith.constant 2 : i32
      %add3A_456 = arith.addi %add3A_410, %add3A_455 : i32
      %mul3A_457 = arith.constant 640 : i32
      %mul3A_458 = arith.muli %add3A_456, %mul3A_457 : i32
      %dma_start3A_459 = arith.constant 2 : i32
      %dma_start3A_460 = arith.constant 0 : i32
      %dma_start3A_461 = arith.constant 0 : i32
      %dma_start3A_462 = tpu.memref_slice %arg6[%dma_start3A_459, %dma_start3A_460, %dma_start3A_461] : memref<4x640x32xf32, #tpu.memory_space<vmem>> -> memref<1x640x32xf32, #tpu.memory_space<vmem>>
      %dma_start3A_463 = tpu.memref_squeeze %dma_start3A_462 : memref<1x640x32xf32, #tpu.memory_space<vmem>> -> memref<640x32xf32, #tpu.memory_space<vmem>>
      %dma_start3A_464 = tpu.memref_slice %arg5[%mul3A_458] : memref<25600xi32, #tpu.memory_space<vmem>> -> memref<640xi32, #tpu.memory_space<vmem>>
      %dma_start3A_465 = arith.constant 0 : i32
      %dma_start3A_466 = arith.constant 0 : i32
      %dma_start3A_467 = tpu.memref_slice %arg3[%dma_start3A_465, %dma_start3A_466] : memref<1000000x32xf32, #tpu.memory_space<hbm>> -> memref<1000000x32xf32, #tpu.memory_space<hbm>>
      tpu.enqueue_indirect_dma source(%dma_start3A_467 : memref<1000000x32xf32, #tpu.memory_space<hbm>>) target(%dma_start3A_463 : memref<640x32xf32, #tpu.memory_space<vmem>>) offsets(%dma_start3A_464 : memref<640xi32, #tpu.memory_space<vmem>>) semaphore(%arg9 : memref<!tpu.dma_semaphore, #tpu.memory_space<semaphore_mem>>)
      %add3A_468 = arith.constant 1 : i32
      %add3A_469 = arith.addi %mul3A_408, %add3A_468 : i32
      %mul3A_470 = arith.constant 640 : i32
      %mul3A_471 = arith.muli %add3A_469, %mul3A_470 : i32
      %dma_wait3A_472 = arith.constant 1 : i32
      %dma_wait3A_473 = arith.constant 0 : i32
      %dma_wait3A_474 = arith.constant 0 : i32
      %dma_wait3A_475 = tpu.memref_slice %arg6[%dma_wait3A_472, %dma_wait3A_473, %dma_wait3A_474] : memref<4x640x32xf32, #tpu.memory_space<vmem>> -> memref<1x640x32xf32, #tpu.memory_space<vmem>>
      %dma_wait3A_476 = tpu.memref_squeeze %dma_wait3A_475 : memref<1x640x32xf32, #tpu.memory_space<vmem>> -> memref<640x32xf32, #tpu.memory_space<vmem>>
      %dma_wait3A_477 = tpu.memref_slice %arg5[%mul3A_471] : memref<25600xi32, #tpu.memory_space<vmem>> -> memref<640xi32, #tpu.memory_space<vmem>>
      %dma_wait3A_478 = arith.constant 0 : i32
      %dma_wait3A_479 = arith.constant 0 : i32
      %dma_wait3A_480 = tpu.memref_slice %arg3[%dma_wait3A_478, %dma_wait3A_479] : memref<1000000x32xf32, #tpu.memory_space<hbm>> -> memref<1000000x32xf32, #tpu.memory_space<hbm>>
      tpu.wait_indirect_dma semaphore(%arg8 : memref<!tpu.dma_semaphore, #tpu.memory_space<semaphore_mem>>) src(%dma_wait3A_480 : memref<1000000x32xf32, #tpu.memory_space<hbm>>) dst(%dma_wait3A_476 : memref<640x32xf32, #tpu.memory_space<vmem>>)
      %mul3A_481 = arith.constant 640 : i32
      %mul3A_482 = arith.muli %add3A_469, %mul3A_481 : i32
      %add3A_483 = arith.addi %mul3A_2, %mul3A_482 : i32
      %dma_start3A_484 = arith.constant 1 : i32
      %dma_start3A_485 = arith.constant 0 : i32
      %dma_start3A_486 = arith.constant 0 : i32
      %dma_start3A_487 = tpu.memref_slice %arg6[%dma_start3A_484, %dma_start3A_485, %dma_start3A_486] : memref<4x640x32xf32, #tpu.memory_space<vmem>> -> memref<1x640x32xf32, #tpu.memory_space<vmem>>
      %dma_start3A_488 = tpu.memref_squeeze %dma_start3A_487 : memref<1x640x32xf32, #tpu.memory_space<vmem>> -> memref<640x32xf32, #tpu.memory_space<vmem>>
      %dma_start3A_489 = arith.constant 0 : i32
      %dma_start3A_490 = tpu.memref_slice %arg4[%add3A_483, %dma_start3A_489] : memref<819200x32xf32, #tpu.memory_space<hbm>> -> memref<640x32xf32, #tpu.memory_space<hbm>>
      %dma_start3A_491 = arith.constant 0 : i32
      %dma_start3A_492 = tpu.memref_slice %arg4[%add3A_483, %dma_start3A_491] : memref<819200x32xf32, #tpu.memory_space<hbm>> -> memref<640x32xf32, #tpu.memory_space<hbm>>
      %dma_start3A_493 = arith.constant 0 : i32
      %dma_start3A_494 = arith.constant 0 : i32
      %dma_start3A_495 = tpu.memref_slice %arg6[%dma_start3A_484, %dma_start3A_493, %dma_start3A_494] : memref<4x640x32xf32, #tpu.memory_space<vmem>> -> memref<1x640x32xf32, #tpu.memory_space<vmem>>
      %dma_start3A_496 = tpu.memref_squeeze %dma_start3A_495 : memref<1x640x32xf32, #tpu.memory_space<vmem>> -> memref<640x32xf32, #tpu.memory_space<vmem>>
      tpu.enqueue_dma source(%dma_start3A_496 : memref<640x32xf32, #tpu.memory_space<vmem>>) target(%dma_start3A_492 : memref<640x32xf32, #tpu.memory_space<hbm>>) target_semaphore(%arg12 : memref<!tpu.dma_semaphore, #tpu.memory_space<semaphore_mem>>)
      %sub3A_497 = arith.constant 2 : i32
      %sub3A_498 = arith.subi %add3A_469, %sub3A_497 : i32
      %mul3A_499 = arith.constant 640 : i32
      %mul3A_500 = arith.muli %sub3A_498, %mul3A_499 : i32
      %add3A_501 = arith.addi %mul3A_2, %mul3A_500 : i32
      %dma_wait3A_502 = arith.constant 3 : i32
      %dma_wait3A_503 = arith.constant 0 : i32
      %dma_wait3A_504 = arith.constant 0 : i32
      %dma_wait3A_505 = tpu.memref_slice %arg6[%dma_wait3A_502, %dma_wait3A_503, %dma_wait3A_504] : memref<4x640x32xf32, #tpu.memory_space<vmem>> -> memref<1x640x32xf32, #tpu.memory_space<vmem>>
      %dma_wait3A_506 = tpu.memref_squeeze %dma_wait3A_505 : memref<1x640x32xf32, #tpu.memory_space<vmem>> -> memref<640x32xf32, #tpu.memory_space<vmem>>
      %dma_wait3A_507 = arith.constant 0 : i32
      %dma_wait3A_508 = tpu.memref_slice %arg4[%add3A_501, %dma_wait3A_507] : memref<819200x32xf32, #tpu.memory_space<hbm>> -> memref<640x32xf32, #tpu.memory_space<hbm>>
      %dma_wait3A_509 = arith.constant 0 : i32
      %dma_wait3A_510 = tpu.memref_slice %arg4[%add3A_501, %dma_wait3A_509] : memref<819200x32xf32, #tpu.memory_space<hbm>> -> memref<640x32xf32, #tpu.memory_space<hbm>>
      %dma_wait3A_511 = arith.constant 0 : i32
      %dma_wait3A_512 = arith.constant 0 : i32
      %dma_wait3A_513 = tpu.memref_slice %arg6[%dma_wait3A_502, %dma_wait3A_511, %dma_wait3A_512] : memref<4x640x32xf32, #tpu.memory_space<vmem>> -> memref<1x640x32xf32, #tpu.memory_space<vmem>>
      %dma_wait3A_514 = tpu.memref_squeeze %dma_wait3A_513 : memref<1x640x32xf32, #tpu.memory_space<vmem>> -> memref<640x32xf32, #tpu.memory_space<vmem>>
      tpu.wait_dma2 semaphore(%arg14 : memref<!tpu.dma_semaphore, #tpu.memory_space<semaphore_mem>>) src(%dma_wait3A_514 : memref<640x32xf32, #tpu.memory_space<vmem>>) dst(%dma_wait3A_510 : memref<640x32xf32, #tpu.memory_space<hbm>>)
      %add3A_515 = arith.constant 2 : i32
      %add3A_516 = arith.addi %add3A_469, %add3A_515 : i32
      %mul3A_517 = arith.constant 640 : i32
      %mul3A_518 = arith.muli %add3A_516, %mul3A_517 : i32
      %dma_start3A_519 = arith.constant 3 : i32
      %dma_start3A_520 = arith.constant 0 : i32
      %dma_start3A_521 = arith.constant 0 : i32
      %dma_start3A_522 = tpu.memref_slice %arg6[%dma_start3A_519, %dma_start3A_520, %dma_start3A_521] : memref<4x640x32xf32, #tpu.memory_space<vmem>> -> memref<1x640x32xf32, #tpu.memory_space<vmem>>
      %dma_start3A_523 = tpu.memref_squeeze %dma_start3A_522 : memref<1x640x32xf32, #tpu.memory_space<vmem>> -> memref<640x32xf32, #tpu.memory_space<vmem>>
      %dma_start3A_524 = tpu.memref_slice %arg5[%mul3A_518] : memref<25600xi32, #tpu.memory_space<vmem>> -> memref<640xi32, #tpu.memory_space<vmem>>
      %dma_start3A_525 = arith.constant 0 : i32
      %dma_start3A_526 = arith.constant 0 : i32
      %dma_start3A_527 = tpu.memref_slice %arg3[%dma_start3A_525, %dma_start3A_526] : memref<1000000x32xf32, #tpu.memory_space<hbm>> -> memref<1000000x32xf32, #tpu.memory_space<hbm>>
      tpu.enqueue_indirect_dma source(%dma_start3A_527 : memref<1000000x32xf32, #tpu.memory_space<hbm>>) target(%dma_start3A_523 : memref<640x32xf32, #tpu.memory_space<vmem>>) offsets(%dma_start3A_524 : memref<640xi32, #tpu.memory_space<vmem>>) semaphore(%arg10 : memref<!tpu.dma_semaphore, #tpu.memory_space<semaphore_mem>>)
      %add3A_528 = arith.constant 2 : i32
      %add3A_529 = arith.addi %mul3A_408, %add3A_528 : i32
      %mul3A_530 = arith.constant 640 : i32
      %mul3A_531 = arith.muli %add3A_529, %mul3A_530 : i32
      %dma_wait3A_532 = arith.constant 2 : i32
      %dma_wait3A_533 = arith.constant 0 : i32
      %dma_wait3A_534 = arith.constant 0 : i32
      %dma_wait3A_535 = tpu.memref_slice %arg6[%dma_wait3A_532, %dma_wait3A_533, %dma_wait3A_534] : memref<4x640x32xf32, #tpu.memory_space<vmem>> -> memref<1x640x32xf32, #tpu.memory_space<vmem>>
      %dma_wait3A_536 = tpu.memref_squeeze %dma_wait3A_535 : memref<1x640x32xf32, #tpu.memory_space<vmem>> -> memref<640x32xf32, #tpu.memory_space<vmem>>
      %dma_wait3A_537 = tpu.memref_slice %arg5[%mul3A_531] : memref<25600xi32, #tpu.memory_space<vmem>> -> memref<640xi32, #tpu.memory_space<vmem>>
      %dma_wait3A_538 = arith.constant 0 : i32
      %dma_wait3A_539 = arith.constant 0 : i32
      %dma_wait3A_540 = tpu.memref_slice %arg3[%dma_wait3A_538, %dma_wait3A_539] : memref<1000000x32xf32, #tpu.memory_space<hbm>> -> memref<1000000x32xf32, #tpu.memory_space<hbm>>
      tpu.wait_indirect_dma semaphore(%arg9 : memref<!tpu.dma_semaphore, #tpu.memory_space<semaphore_mem>>) src(%dma_wait3A_540 : memref<1000000x32xf32, #tpu.memory_space<hbm>>) dst(%dma_wait3A_536 : memref<640x32xf32, #tpu.memory_space<vmem>>)
      %mul3A_541 = arith.constant 640 : i32
      %mul3A_542 = arith.muli %add3A_529, %mul3A_541 : i32
      %add3A_543 = arith.addi %mul3A_2, %mul3A_542 : i32
      %dma_start3A_544 = arith.constant 2 : i32
      %dma_start3A_545 = arith.constant 0 : i32
      %dma_start3A_546 = arith.constant 0 : i32
      %dma_start3A_547 = tpu.memref_slice %arg6[%dma_start3A_544, %dma_start3A_545, %dma_start3A_546] : memref<4x640x32xf32, #tpu.memory_space<vmem>> -> memref<1x640x32xf32, #tpu.memory_space<vmem>>
      %dma_start3A_548 = tpu.memref_squeeze %dma_start3A_547 : memref<1x640x32xf32, #tpu.memory_space<vmem>> -> memref<640x32xf32, #tpu.memory_space<vmem>>
      %dma_start3A_549 = arith.constant 0 : i32
      %dma_start3A_550 = tpu.memref_slice %arg4[%add3A_543, %dma_start3A_549] : memref<819200x32xf32, #tpu.memory_space<hbm>> -> memref<640x32xf32, #tpu.memory_space<hbm>>
      %dma_start3A_551 = arith.constant 0 : i32
      %dma_start3A_552 = tpu.memref_slice %arg4[%add3A_543, %dma_start3A_551] : memref<819200x32xf32, #tpu.memory_space<hbm>> -> memref<640x32xf32, #tpu.memory_space<hbm>>
      %dma_start3A_553 = arith.constant 0 : i32
      %dma_start3A_554 = arith.constant 0 : i32
      %dma_start3A_555 = tpu.memref_slice %arg6[%dma_start3A_544, %dma_start3A_553, %dma_start3A_554] : memref<4x640x32xf32, #tpu.memory_space<vmem>> -> memref<1x640x32xf32, #tpu.memory_space<vmem>>
      %dma_start3A_556 = tpu.memref_squeeze %dma_start3A_555 : memref<1x640x32xf32, #tpu.memory_space<vmem>> -> memref<640x32xf32, #tpu.memory_space<vmem>>
      tpu.enqueue_dma source(%dma_start3A_556 : memref<640x32xf32, #tpu.memory_space<vmem>>) target(%dma_start3A_552 : memref<640x32xf32, #tpu.memory_space<hbm>>) target_semaphore(%arg13 : memref<!tpu.dma_semaphore, #tpu.memory_space<semaphore_mem>>)
      %sub3A_557 = arith.constant 2 : i32
      %sub3A_558 = arith.subi %add3A_529, %sub3A_557 : i32
      %mul3A_559 = arith.constant 640 : i32
      %mul3A_560 = arith.muli %sub3A_558, %mul3A_559 : i32
      %add3A_561 = arith.addi %mul3A_2, %mul3A_560 : i32
      %dma_wait3A_562 = arith.constant 0 : i32
      %dma_wait3A_563 = arith.constant 0 : i32
      %dma_wait3A_564 = arith.constant 0 : i32
      %dma_wait3A_565 = tpu.memref_slice %arg6[%dma_wait3A_562, %dma_wait3A_563, %dma_wait3A_564] : memref<4x640x32xf32, #tpu.memory_space<vmem>> -> memref<1x640x32xf32, #tpu.memory_space<vmem>>
      %dma_wait3A_566 = tpu.memref_squeeze %dma_wait3A_565 : memref<1x640x32xf32, #tpu.memory_space<vmem>> -> memref<640x32xf32, #tpu.memory_space<vmem>>
      %dma_wait3A_567 = arith.constant 0 : i32
      %dma_wait3A_568 = tpu.memref_slice %arg4[%add3A_561, %dma_wait3A_567] : memref<819200x32xf32, #tpu.memory_space<hbm>> -> memref<640x32xf32, #tpu.memory_space<hbm>>
      %dma_wait3A_569 = arith.constant 0 : i32
      %dma_wait3A_570 = tpu.memref_slice %arg4[%add3A_561, %dma_wait3A_569] : memref<819200x32xf32, #tpu.memory_space<hbm>> -> memref<640x32xf32, #tpu.memory_space<hbm>>
      %dma_wait3A_571 = arith.constant 0 : i32
      %dma_wait3A_572 = arith.constant 0 : i32
      %dma_wait3A_573 = tpu.memref_slice %arg6[%dma_wait3A_562, %dma_wait3A_571, %dma_wait3A_572] : memref<4x640x32xf32, #tpu.memory_space<vmem>> -> memref<1x640x32xf32, #tpu.memory_space<vmem>>
      %dma_wait3A_574 = tpu.memref_squeeze %dma_wait3A_573 : memref<1x640x32xf32, #tpu.memory_space<vmem>> -> memref<640x32xf32, #tpu.memory_space<vmem>>
      tpu.wait_dma2 semaphore(%arg11 : memref<!tpu.dma_semaphore, #tpu.memory_space<semaphore_mem>>) src(%dma_wait3A_574 : memref<640x32xf32, #tpu.memory_space<vmem>>) dst(%dma_wait3A_570 : memref<640x32xf32, #tpu.memory_space<hbm>>)
      %add3A_575 = arith.constant 2 : i32
      %add3A_576 = arith.addi %add3A_529, %add3A_575 : i32
      %mul3A_577 = arith.constant 640 : i32
      %mul3A_578 = arith.muli %add3A_576, %mul3A_577 : i32
      %dma_start3A_579 = arith.constant 0 : i32
      %dma_start3A_580 = arith.constant 0 : i32
      %dma_start3A_581 = arith.constant 0 : i32
      %dma_start3A_582 = tpu.memref_slice %arg6[%dma_start3A_579, %dma_start3A_580, %dma_start3A_581] : memref<4x640x32xf32, #tpu.memory_space<vmem>> -> memref<1x640x32xf32, #tpu.memory_space<vmem>>
      %dma_start3A_583 = tpu.memref_squeeze %dma_start3A_582 : memref<1x640x32xf32, #tpu.memory_space<vmem>> -> memref<640x32xf32, #tpu.memory_space<vmem>>
      %dma_start3A_584 = tpu.memref_slice %arg5[%mul3A_578] : memref<25600xi32, #tpu.memory_space<vmem>> -> memref<640xi32, #tpu.memory_space<vmem>>
      %dma_start3A_585 = arith.constant 0 : i32
      %dma_start3A_586 = arith.constant 0 : i32
      %dma_start3A_587 = tpu.memref_slice %arg3[%dma_start3A_585, %dma_start3A_586] : memref<1000000x32xf32, #tpu.memory_space<hbm>> -> memref<1000000x32xf32, #tpu.memory_space<hbm>>
      tpu.enqueue_indirect_dma source(%dma_start3A_587 : memref<1000000x32xf32, #tpu.memory_space<hbm>>) target(%dma_start3A_583 : memref<640x32xf32, #tpu.memory_space<vmem>>) offsets(%dma_start3A_584 : memref<640xi32, #tpu.memory_space<vmem>>) semaphore(%arg7 : memref<!tpu.dma_semaphore, #tpu.memory_space<semaphore_mem>>)
      %add3A_588 = arith.constant 3 : i32
      %add3A_589 = arith.addi %mul3A_408, %add3A_588 : i32
      %mul3A_590 = arith.constant 640 : i32
      %mul3A_591 = arith.muli %add3A_589, %mul3A_590 : i32
      %dma_wait3A_592 = arith.constant 3 : i32
      %dma_wait3A_593 = arith.constant 0 : i32
      %dma_wait3A_594 = arith.constant 0 : i32
      %dma_wait3A_595 = tpu.memref_slice %arg6[%dma_wait3A_592, %dma_wait3A_593, %dma_wait3A_594] : memref<4x640x32xf32, #tpu.memory_space<vmem>> -> memref<1x640x32xf32, #tpu.memory_space<vmem>>
      %dma_wait3A_596 = tpu.memref_squeeze %dma_wait3A_595 : memref<1x640x32xf32, #tpu.memory_space<vmem>> -> memref<640x32xf32, #tpu.memory_space<vmem>>
      %dma_wait3A_597 = tpu.memref_slice %arg5[%mul3A_591] : memref<25600xi32, #tpu.memory_space<vmem>> -> memref<640xi32, #tpu.memory_space<vmem>>
      %dma_wait3A_598 = arith.constant 0 : i32
      %dma_wait3A_599 = arith.constant 0 : i32
      %dma_wait3A_600 = tpu.memref_slice %arg3[%dma_wait3A_598, %dma_wait3A_599] : memref<1000000x32xf32, #tpu.memory_space<hbm>> -> memref<1000000x32xf32, #tpu.memory_space<hbm>>
      tpu.wait_indirect_dma semaphore(%arg10 : memref<!tpu.dma_semaphore, #tpu.memory_space<semaphore_mem>>) src(%dma_wait3A_600 : memref<1000000x32xf32, #tpu.memory_space<hbm>>) dst(%dma_wait3A_596 : memref<640x32xf32, #tpu.memory_space<vmem>>)
      %mul3A_601 = arith.constant 640 : i32
      %mul3A_602 = arith.muli %add3A_589, %mul3A_601 : i32
      %add3A_603 = arith.addi %mul3A_2, %mul3A_602 : i32
      %dma_start3A_604 = arith.constant 3 : i32
      %dma_start3A_605 = arith.constant 0 : i32
      %dma_start3A_606 = arith.constant 0 : i32
      %dma_start3A_607 = tpu.memref_slice %arg6[%dma_start3A_604, %dma_start3A_605, %dma_start3A_606] : memref<4x640x32xf32, #tpu.memory_space<vmem>> -> memref<1x640x32xf32, #tpu.memory_space<vmem>>
      %dma_start3A_608 = tpu.memref_squeeze %dma_start3A_607 : memref<1x640x32xf32, #tpu.memory_space<vmem>> -> memref<640x32xf32, #tpu.memory_space<vmem>>
      %dma_start3A_609 = arith.constant 0 : i32
      %dma_start3A_610 = tpu.memref_slice %arg4[%add3A_603, %dma_start3A_609] : memref<819200x32xf32, #tpu.memory_space<hbm>> -> memref<640x32xf32, #tpu.memory_space<hbm>>
      %dma_start3A_611 = arith.constant 0 : i32
      %dma_start3A_612 = tpu.memref_slice %arg4[%add3A_603, %dma_start3A_611] : memref<819200x32xf32, #tpu.memory_space<hbm>> -> memref<640x32xf32, #tpu.memory_space<hbm>>
      %dma_start3A_613 = arith.constant 0 : i32
      %dma_start3A_614 = arith.constant 0 : i32
      %dma_start3A_615 = tpu.memref_slice %arg6[%dma_start3A_604, %dma_start3A_613, %dma_start3A_614] : memref<4x640x32xf32, #tpu.memory_space<vmem>> -> memref<1x640x32xf32, #tpu.memory_space<vmem>>
      %dma_start3A_616 = tpu.memref_squeeze %dma_start3A_615 : memref<1x640x32xf32, #tpu.memory_space<vmem>> -> memref<640x32xf32, #tpu.memory_space<vmem>>
      tpu.enqueue_dma source(%dma_start3A_616 : memref<640x32xf32, #tpu.memory_space<vmem>>) target(%dma_start3A_612 : memref<640x32xf32, #tpu.memory_space<hbm>>) target_semaphore(%arg14 : memref<!tpu.dma_semaphore, #tpu.memory_space<semaphore_mem>>)
      %sub3A_617 = arith.constant 2 : i32
      %sub3A_618 = arith.subi %add3A_589, %sub3A_617 : i32
      %mul3A_619 = arith.constant 640 : i32
      %mul3A_620 = arith.muli %sub3A_618, %mul3A_619 : i32
      %add3A_621 = arith.addi %mul3A_2, %mul3A_620 : i32
      %dma_wait3A_622 = arith.constant 1 : i32
      %dma_wait3A_623 = arith.constant 0 : i32
      %dma_wait3A_624 = arith.constant 0 : i32
      %dma_wait3A_625 = tpu.memref_slice %arg6[%dma_wait3A_622, %dma_wait3A_623, %dma_wait3A_624] : memref<4x640x32xf32, #tpu.memory_space<vmem>> -> memref<1x640x32xf32, #tpu.memory_space<vmem>>
      %dma_wait3A_626 = tpu.memref_squeeze %dma_wait3A_625 : memref<1x640x32xf32, #tpu.memory_space<vmem>> -> memref<640x32xf32, #tpu.memory_space<vmem>>
      %dma_wait3A_627 = arith.constant 0 : i32
      %dma_wait3A_628 = tpu.memref_slice %arg4[%add3A_621, %dma_wait3A_627] : memref<819200x32xf32, #tpu.memory_space<hbm>> -> memref<640x32xf32, #tpu.memory_space<hbm>>
      %dma_wait3A_629 = arith.constant 0 : i32
      %dma_wait3A_630 = tpu.memref_slice %arg4[%add3A_621, %dma_wait3A_629] : memref<819200x32xf32, #tpu.memory_space<hbm>> -> memref<640x32xf32, #tpu.memory_space<hbm>>
      %dma_wait3A_631 = arith.constant 0 : i32
      %dma_wait3A_632 = arith.constant 0 : i32
      %dma_wait3A_633 = tpu.memref_slice %arg6[%dma_wait3A_622, %dma_wait3A_631, %dma_wait3A_632] : memref<4x640x32xf32, #tpu.memory_space<vmem>> -> memref<1x640x32xf32, #tpu.memory_space<vmem>>
      %dma_wait3A_634 = tpu.memref_squeeze %dma_wait3A_633 : memref<1x640x32xf32, #tpu.memory_space<vmem>> -> memref<640x32xf32, #tpu.memory_space<vmem>>
      tpu.wait_dma2 semaphore(%arg12 : memref<!tpu.dma_semaphore, #tpu.memory_space<semaphore_mem>>) src(%dma_wait3A_634 : memref<640x32xf32, #tpu.memory_space<vmem>>) dst(%dma_wait3A_630 : memref<640x32xf32, #tpu.memory_space<hbm>>)
      %add3A_635 = arith.constant 2 : i32
      %add3A_636 = arith.addi %add3A_589, %add3A_635 : i32
      %mul3A_637 = arith.constant 640 : i32
      %mul3A_638 = arith.muli %add3A_636, %mul3A_637 : i32
      %dma_start3A_639 = arith.constant 1 : i32
      %dma_start3A_640 = arith.constant 0 : i32
      %dma_start3A_641 = arith.constant 0 : i32
      %dma_start3A_642 = tpu.memref_slice %arg6[%dma_start3A_639, %dma_start3A_640, %dma_start3A_641] : memref<4x640x32xf32, #tpu.memory_space<vmem>> -> memref<1x640x32xf32, #tpu.memory_space<vmem>>
      %dma_start3A_643 = tpu.memref_squeeze %dma_start3A_642 : memref<1x640x32xf32, #tpu.memory_space<vmem>> -> memref<640x32xf32, #tpu.memory_space<vmem>>
      %dma_start3A_644 = tpu.memref_slice %arg5[%mul3A_638] : memref<25600xi32, #tpu.memory_space<vmem>> -> memref<640xi32, #tpu.memory_space<vmem>>
      %dma_start3A_645 = arith.constant 0 : i32
      %dma_start3A_646 = arith.constant 0 : i32
      %dma_start3A_647 = tpu.memref_slice %arg3[%dma_start3A_645, %dma_start3A_646] : memref<1000000x32xf32, #tpu.memory_space<hbm>> -> memref<1000000x32xf32, #tpu.memory_space<hbm>>
      tpu.enqueue_indirect_dma source(%dma_start3A_647 : memref<1000000x32xf32, #tpu.memory_space<hbm>>) target(%dma_start3A_643 : memref<640x32xf32, #tpu.memory_space<vmem>>) offsets(%dma_start3A_644 : memref<640xi32, #tpu.memory_space<vmem>>) semaphore(%arg8 : memref<!tpu.dma_semaphore, #tpu.memory_space<semaphore_mem>>)
    }
    %scan3A_195 = arith.constant 8 : i32
    %dma_wait3A_196 = arith.constant 0 : i32
    %dma_wait3A_197 = arith.constant 0 : i32
    %dma_wait3A_198 = arith.constant 0 : i32
    %dma_wait3A_199 = tpu.memref_slice %arg6[%dma_wait3A_196, %dma_wait3A_197, %dma_wait3A_198] : memref<4x640x32xf32, #tpu.memory_space<vmem>> -> memref<1x640x32xf32, #tpu.memory_space<vmem>>
    %dma_wait3A_200 = tpu.memref_squeeze %dma_wait3A_199 : memref<1x640x32xf32, #tpu.memory_space<vmem>> -> memref<640x32xf32, #tpu.memory_space<vmem>>
    %dma_wait3A_201 = arith.constant 23040 : i32
    %dma_wait3A_202 = tpu.memref_slice %arg5[%dma_wait3A_201] : memref<25600xi32, #tpu.memory_space<vmem>> -> memref<640xi32, #tpu.memory_space<vmem>>
    %dma_wait3A_203 = arith.constant 0 : i32
    %dma_wait3A_204 = arith.constant 0 : i32
    %dma_wait3A_205 = tpu.memref_slice %arg3[%dma_wait3A_203, %dma_wait3A_204] : memref<1000000x32xf32, #tpu.memory_space<hbm>> -> memref<1000000x32xf32, #tpu.memory_space<hbm>>
    tpu.wait_indirect_dma semaphore(%arg7 : memref<!tpu.dma_semaphore, #tpu.memory_space<semaphore_mem>>) src(%dma_wait3A_205 : memref<1000000x32xf32, #tpu.memory_space<hbm>>) dst(%dma_wait3A_200 : memref<640x32xf32, #tpu.memory_space<vmem>>)
    %add3A_206 = arith.constant 23040 : i32
    %add3A_207 = arith.addi %mul3A_2, %add3A_206 : i32
    %dma_start3A_208 = arith.constant 0 : i32
    %dma_start3A_209 = arith.constant 0 : i32
    %dma_start3A_210 = arith.constant 0 : i32
    %dma_start3A_211 = tpu.memref_slice %arg6[%dma_start3A_208, %dma_start3A_209, %dma_start3A_210] : memref<4x640x32xf32, #tpu.memory_space<vmem>> -> memref<1x640x32xf32, #tpu.memory_space<vmem>>
    %dma_start3A_212 = tpu.memref_squeeze %dma_start3A_211 : memref<1x640x32xf32, #tpu.memory_space<vmem>> -> memref<640x32xf32, #tpu.memory_space<vmem>>
    %dma_start3A_213 = arith.constant 0 : i32
    %dma_start3A_214 = tpu.memref_slice %arg4[%add3A_207, %dma_start3A_213] : memref<819200x32xf32, #tpu.memory_space<hbm>> -> memref<640x32xf32, #tpu.memory_space<hbm>>
    %dma_start3A_215 = arith.constant 0 : i32
    %dma_start3A_216 = tpu.memref_slice %arg4[%add3A_207, %dma_start3A_215] : memref<819200x32xf32, #tpu.memory_space<hbm>> -> memref<640x32xf32, #tpu.memory_space<hbm>>
    %dma_start3A_217 = arith.constant 0 : i32
    %dma_start3A_218 = arith.constant 0 : i32
    %dma_start3A_219 = tpu.memref_slice %arg6[%dma_start3A_208, %dma_start3A_217, %dma_start3A_218] : memref<4x640x32xf32, #tpu.memory_space<vmem>> -> memref<1x640x32xf32, #tpu.memory_space<vmem>>
    %dma_start3A_220 = tpu.memref_squeeze %dma_start3A_219 : memref<1x640x32xf32, #tpu.memory_space<vmem>> -> memref<640x32xf32, #tpu.memory_space<vmem>>
    tpu.enqueue_dma source(%dma_start3A_220 : memref<640x32xf32, #tpu.memory_space<vmem>>) target(%dma_start3A_216 : memref<640x32xf32, #tpu.memory_space<hbm>>) target_semaphore(%arg11 : memref<!tpu.dma_semaphore, #tpu.memory_space<semaphore_mem>>)
    %add3A_221 = arith.constant 21760 : i32
    %add3A_222 = arith.addi %mul3A_2, %add3A_221 : i32
    %dma_wait3A_223 = arith.constant 2 : i32
    %dma_wait3A_224 = arith.constant 0 : i32
    %dma_wait3A_225 = arith.constant 0 : i32
    %dma_wait3A_226 = tpu.memref_slice %arg6[%dma_wait3A_223, %dma_wait3A_224, %dma_wait3A_225] : memref<4x640x32xf32, #tpu.memory_space<vmem>> -> memref<1x640x32xf32, #tpu.memory_space<vmem>>
    %dma_wait3A_227 = tpu.memref_squeeze %dma_wait3A_226 : memref<1x640x32xf32, #tpu.memory_space<vmem>> -> memref<640x32xf32, #tpu.memory_space<vmem>>
    %dma_wait3A_228 = arith.constant 0 : i32
    %dma_wait3A_229 = tpu.memref_slice %arg4[%add3A_222, %dma_wait3A_228] : memref<819200x32xf32, #tpu.memory_space<hbm>> -> memref<640x32xf32, #tpu.memory_space<hbm>>
    %dma_wait3A_230 = arith.constant 0 : i32
    %dma_wait3A_231 = tpu.memref_slice %arg4[%add3A_222, %dma_wait3A_230] : memref<819200x32xf32, #tpu.memory_space<hbm>> -> memref<640x32xf32, #tpu.memory_space<hbm>>
    %dma_wait3A_232 = arith.constant 0 : i32
    %dma_wait3A_233 = arith.constant 0 : i32
    %dma_wait3A_234 = tpu.memref_slice %arg6[%dma_wait3A_223, %dma_wait3A_232, %dma_wait3A_233] : memref<4x640x32xf32, #tpu.memory_space<vmem>> -> memref<1x640x32xf32, #tpu.memory_space<vmem>>
    %dma_wait3A_235 = tpu.memref_squeeze %dma_wait3A_234 : memref<1x640x32xf32, #tpu.memory_space<vmem>> -> memref<640x32xf32, #tpu.memory_space<vmem>>
    tpu.wait_dma2 semaphore(%arg13 : memref<!tpu.dma_semaphore, #tpu.memory_space<semaphore_mem>>) src(%dma_wait3A_235 : memref<640x32xf32, #tpu.memory_space<vmem>>) dst(%dma_wait3A_231 : memref<640x32xf32, #tpu.memory_space<hbm>>)
    %dma_start3A_236 = arith.constant 2 : i32
    %dma_start3A_237 = arith.constant 0 : i32
    %dma_start3A_238 = arith.constant 0 : i32
    %dma_start3A_239 = tpu.memref_slice %arg6[%dma_start3A_236, %dma_start3A_237, %dma_start3A_238] : memref<4x640x32xf32, #tpu.memory_space<vmem>> -> memref<1x640x32xf32, #tpu.memory_space<vmem>>
    %dma_start3A_240 = tpu.memref_squeeze %dma_start3A_239 : memref<1x640x32xf32, #tpu.memory_space<vmem>> -> memref<640x32xf32, #tpu.memory_space<vmem>>
    %dma_start3A_241 = arith.constant 24320 : i32
    %dma_start3A_242 = tpu.memref_slice %arg5[%dma_start3A_241] : memref<25600xi32, #tpu.memory_space<vmem>> -> memref<640xi32, #tpu.memory_space<vmem>>
    %dma_start3A_243 = arith.constant 0 : i32
    %dma_start3A_244 = arith.constant 0 : i32
    %dma_start3A_245 = tpu.memref_slice %arg3[%dma_start3A_243, %dma_start3A_244] : memref<1000000x32xf32, #tpu.memory_space<hbm>> -> memref<1000000x32xf32, #tpu.memory_space<hbm>>
    tpu.enqueue_indirect_dma source(%dma_start3A_245 : memref<1000000x32xf32, #tpu.memory_space<hbm>>) target(%dma_start3A_240 : memref<640x32xf32, #tpu.memory_space<vmem>>) offsets(%dma_start3A_242 : memref<640xi32, #tpu.memory_space<vmem>>) semaphore(%arg9 : memref<!tpu.dma_semaphore, #tpu.memory_space<semaphore_mem>>)
    %dma_wait3A_246 = arith.constant 1 : i32
    %dma_wait3A_247 = arith.constant 0 : i32
    %dma_wait3A_248 = arith.constant 0 : i32
    %dma_wait3A_249 = tpu.memref_slice %arg6[%dma_wait3A_246, %dma_wait3A_247, %dma_wait3A_248] : memref<4x640x32xf32, #tpu.memory_space<vmem>> -> memref<1x640x32xf32, #tpu.memory_space<vmem>>
    %dma_wait3A_250 = tpu.memref_squeeze %dma_wait3A_249 : memref<1x640x32xf32, #tpu.memory_space<vmem>> -> memref<640x32xf32, #tpu.memory_space<vmem>>
    %dma_wait3A_251 = arith.constant 23680 : i32
    %dma_wait3A_252 = tpu.memref_slice %arg5[%dma_wait3A_251] : memref<25600xi32, #tpu.memory_space<vmem>> -> memref<640xi32, #tpu.memory_space<vmem>>
    %dma_wait3A_253 = arith.constant 0 : i32
    %dma_wait3A_254 = arith.constant 0 : i32
    %dma_wait3A_255 = tpu.memref_slice %arg3[%dma_wait3A_253, %dma_wait3A_254] : memref<1000000x32xf32, #tpu.memory_space<hbm>> -> memref<1000000x32xf32, #tpu.memory_space<hbm>>
    tpu.wait_indirect_dma semaphore(%arg8 : memref<!tpu.dma_semaphore, #tpu.memory_space<semaphore_mem>>) src(%dma_wait3A_255 : memref<1000000x32xf32, #tpu.memory_space<hbm>>) dst(%dma_wait3A_250 : memref<640x32xf32, #tpu.memory_space<vmem>>)
    %add3A_256 = arith.constant 23680 : i32
    %add3A_257 = arith.addi %mul3A_2, %add3A_256 : i32
    %dma_start3A_258 = arith.constant 1 : i32
    %dma_start3A_259 = arith.constant 0 : i32
    %dma_start3A_260 = arith.constant 0 : i32
    %dma_start3A_261 = tpu.memref_slice %arg6[%dma_start3A_258, %dma_start3A_259, %dma_start3A_260] : memref<4x640x32xf32, #tpu.memory_space<vmem>> -> memref<1x640x32xf32, #tpu.memory_space<vmem>>
    %dma_start3A_262 = tpu.memref_squeeze %dma_start3A_261 : memref<1x640x32xf32, #tpu.memory_space<vmem>> -> memref<640x32xf32, #tpu.memory_space<vmem>>
    %dma_start3A_263 = arith.constant 0 : i32
    %dma_start3A_264 = tpu.memref_slice %arg4[%add3A_257, %dma_start3A_263] : memref<819200x32xf32, #tpu.memory_space<hbm>> -> memref<640x32xf32, #tpu.memory_space<hbm>>
    %dma_start3A_265 = arith.constant 0 : i32
    %dma_start3A_266 = tpu.memref_slice %arg4[%add3A_257, %dma_start3A_265] : memref<819200x32xf32, #tpu.memory_space<hbm>> -> memref<640x32xf32, #tpu.memory_space<hbm>>
    %dma_start3A_267 = arith.constant 0 : i32
    %dma_start3A_268 = arith.constant 0 : i32
    %dma_start3A_269 = tpu.memref_slice %arg6[%dma_start3A_258, %dma_start3A_267, %dma_start3A_268] : memref<4x640x32xf32, #tpu.memory_space<vmem>> -> memref<1x640x32xf32, #tpu.memory_space<vmem>>
    %dma_start3A_270 = tpu.memref_squeeze %dma_start3A_269 : memref<1x640x32xf32, #tpu.memory_space<vmem>> -> memref<640x32xf32, #tpu.memory_space<vmem>>
    tpu.enqueue_dma source(%dma_start3A_270 : memref<640x32xf32, #tpu.memory_space<vmem>>) target(%dma_start3A_266 : memref<640x32xf32, #tpu.memory_space<hbm>>) target_semaphore(%arg12 : memref<!tpu.dma_semaphore, #tpu.memory_space<semaphore_mem>>)
    %add3A_271 = arith.constant 22400 : i32
    %add3A_272 = arith.addi %mul3A_2, %add3A_271 : i32
    %dma_wait3A_273 = arith.constant 3 : i32
    %dma_wait3A_274 = arith.constant 0 : i32
    %dma_wait3A_275 = arith.constant 0 : i32
    %dma_wait3A_276 = tpu.memref_slice %arg6[%dma_wait3A_273, %dma_wait3A_274, %dma_wait3A_275] : memref<4x640x32xf32, #tpu.memory_space<vmem>> -> memref<1x640x32xf32, #tpu.memory_space<vmem>>
    %dma_wait3A_277 = tpu.memref_squeeze %dma_wait3A_276 : memref<1x640x32xf32, #tpu.memory_space<vmem>> -> memref<640x32xf32, #tpu.memory_space<vmem>>
    %dma_wait3A_278 = arith.constant 0 : i32
    %dma_wait3A_279 = tpu.memref_slice %arg4[%add3A_272, %dma_wait3A_278] : memref<819200x32xf32, #tpu.memory_space<hbm>> -> memref<640x32xf32, #tpu.memory_space<hbm>>
    %dma_wait3A_280 = arith.constant 0 : i32
    %dma_wait3A_281 = tpu.memref_slice %arg4[%add3A_272, %dma_wait3A_280] : memref<819200x32xf32, #tpu.memory_space<hbm>> -> memref<640x32xf32, #tpu.memory_space<hbm>>
    %dma_wait3A_282 = arith.constant 0 : i32
    %dma_wait3A_283 = arith.constant 0 : i32
    %dma_wait3A_284 = tpu.memref_slice %arg6[%dma_wait3A_273, %dma_wait3A_282, %dma_wait3A_283] : memref<4x640x32xf32, #tpu.memory_space<vmem>> -> memref<1x640x32xf32, #tpu.memory_space<vmem>>
    %dma_wait3A_285 = tpu.memref_squeeze %dma_wait3A_284 : memref<1x640x32xf32, #tpu.memory_space<vmem>> -> memref<640x32xf32, #tpu.memory_space<vmem>>
    tpu.wait_dma2 semaphore(%arg14 : memref<!tpu.dma_semaphore, #tpu.memory_space<semaphore_mem>>) src(%dma_wait3A_285 : memref<640x32xf32, #tpu.memory_space<vmem>>) dst(%dma_wait3A_281 : memref<640x32xf32, #tpu.memory_space<hbm>>)
    %dma_start3A_286 = arith.constant 3 : i32
    %dma_start3A_287 = arith.constant 0 : i32
    %dma_start3A_288 = arith.constant 0 : i32
    %dma_start3A_289 = tpu.memref_slice %arg6[%dma_start3A_286, %dma_start3A_287, %dma_start3A_288] : memref<4x640x32xf32, #tpu.memory_space<vmem>> -> memref<1x640x32xf32, #tpu.memory_space<vmem>>
    %dma_start3A_290 = tpu.memref_squeeze %dma_start3A_289 : memref<1x640x32xf32, #tpu.memory_space<vmem>> -> memref<640x32xf32, #tpu.memory_space<vmem>>
    %dma_start3A_291 = arith.constant 24960 : i32
    %dma_start3A_292 = tpu.memref_slice %arg5[%dma_start3A_291] : memref<25600xi32, #tpu.memory_space<vmem>> -> memref<640xi32, #tpu.memory_space<vmem>>
    %dma_start3A_293 = arith.constant 0 : i32
    %dma_start3A_294 = arith.constant 0 : i32
    %dma_start3A_295 = tpu.memref_slice %arg3[%dma_start3A_293, %dma_start3A_294] : memref<1000000x32xf32, #tpu.memory_space<hbm>> -> memref<1000000x32xf32, #tpu.memory_space<hbm>>
    tpu.enqueue_indirect_dma source(%dma_start3A_295 : memref<1000000x32xf32, #tpu.memory_space<hbm>>) target(%dma_start3A_290 : memref<640x32xf32, #tpu.memory_space<vmem>>) offsets(%dma_start3A_292 : memref<640xi32, #tpu.memory_space<vmem>>) semaphore(%arg10 : memref<!tpu.dma_semaphore, #tpu.memory_space<semaphore_mem>>)
    %dma_wait3A_296 = arith.constant 2 : i32
    %dma_wait3A_297 = arith.constant 0 : i32
    %dma_wait3A_298 = arith.constant 0 : i32
    %dma_wait3A_299 = tpu.memref_slice %arg6[%dma_wait3A_296, %dma_wait3A_297, %dma_wait3A_298] : memref<4x640x32xf32, #tpu.memory_space<vmem>> -> memref<1x640x32xf32, #tpu.memory_space<vmem>>
    %dma_wait3A_300 = tpu.memref_squeeze %dma_wait3A_299 : memref<1x640x32xf32, #tpu.memory_space<vmem>> -> memref<640x32xf32, #tpu.memory_space<vmem>>
    %dma_wait3A_301 = arith.constant 24320 : i32
    %dma_wait3A_302 = tpu.memref_slice %arg5[%dma_wait3A_301] : memref<25600xi32, #tpu.memory_space<vmem>> -> memref<640xi32, #tpu.memory_space<vmem>>
    %dma_wait3A_303 = arith.constant 0 : i32
    %dma_wait3A_304 = arith.constant 0 : i32
    %dma_wait3A_305 = tpu.memref_slice %arg3[%dma_wait3A_303, %dma_wait3A_304] : memref<1000000x32xf32, #tpu.memory_space<hbm>> -> memref<1000000x32xf32, #tpu.memory_space<hbm>>
    tpu.wait_indirect_dma semaphore(%arg9 : memref<!tpu.dma_semaphore, #tpu.memory_space<semaphore_mem>>) src(%dma_wait3A_305 : memref<1000000x32xf32, #tpu.memory_space<hbm>>) dst(%dma_wait3A_300 : memref<640x32xf32, #tpu.memory_space<vmem>>)
    %add3A_306 = arith.constant 24320 : i32
    %add3A_307 = arith.addi %mul3A_2, %add3A_306 : i32
    %dma_start3A_308 = arith.constant 2 : i32
    %dma_start3A_309 = arith.constant 0 : i32
    %dma_start3A_310 = arith.constant 0 : i32
    %dma_start3A_311 = tpu.memref_slice %arg6[%dma_start3A_308, %dma_start3A_309, %dma_start3A_310] : memref<4x640x32xf32, #tpu.memory_space<vmem>> -> memref<1x640x32xf32, #tpu.memory_space<vmem>>
    %dma_start3A_312 = tpu.memref_squeeze %dma_start3A_311 : memref<1x640x32xf32, #tpu.memory_space<vmem>> -> memref<640x32xf32, #tpu.memory_space<vmem>>
    %dma_start3A_313 = arith.constant 0 : i32
    %dma_start3A_314 = tpu.memref_slice %arg4[%add3A_307, %dma_start3A_313] : memref<819200x32xf32, #tpu.memory_space<hbm>> -> memref<640x32xf32, #tpu.memory_space<hbm>>
    %dma_start3A_315 = arith.constant 0 : i32
    %dma_start3A_316 = tpu.memref_slice %arg4[%add3A_307, %dma_start3A_315] : memref<819200x32xf32, #tpu.memory_space<hbm>> -> memref<640x32xf32, #tpu.memory_space<hbm>>
    %dma_start3A_317 = arith.constant 0 : i32
    %dma_start3A_318 = arith.constant 0 : i32
    %dma_start3A_319 = tpu.memref_slice %arg6[%dma_start3A_308, %dma_start3A_317, %dma_start3A_318] : memref<4x640x32xf32, #tpu.memory_space<vmem>> -> memref<1x640x32xf32, #tpu.memory_space<vmem>>
    %dma_start3A_320 = tpu.memref_squeeze %dma_start3A_319 : memref<1x640x32xf32, #tpu.memory_space<vmem>> -> memref<640x32xf32, #tpu.memory_space<vmem>>
    tpu.enqueue_dma source(%dma_start3A_320 : memref<640x32xf32, #tpu.memory_space<vmem>>) target(%dma_start3A_316 : memref<640x32xf32, #tpu.memory_space<hbm>>) target_semaphore(%arg13 : memref<!tpu.dma_semaphore, #tpu.memory_space<semaphore_mem>>)
    %dma_wait3A_321 = arith.constant 3 : i32
    %dma_wait3A_322 = arith.constant 0 : i32
    %dma_wait3A_323 = arith.constant 0 : i32
    %dma_wait3A_324 = tpu.memref_slice %arg6[%dma_wait3A_321, %dma_wait3A_322, %dma_wait3A_323] : memref<4x640x32xf32, #tpu.memory_space<vmem>> -> memref<1x640x32xf32, #tpu.memory_space<vmem>>
    %dma_wait3A_325 = tpu.memref_squeeze %dma_wait3A_324 : memref<1x640x32xf32, #tpu.memory_space<vmem>> -> memref<640x32xf32, #tpu.memory_space<vmem>>
    %dma_wait3A_326 = arith.constant 24960 : i32
    %dma_wait3A_327 = tpu.memref_slice %arg5[%dma_wait3A_326] : memref<25600xi32, #tpu.memory_space<vmem>> -> memref<640xi32, #tpu.memory_space<vmem>>
    %dma_wait3A_328 = arith.constant 0 : i32
    %dma_wait3A_329 = arith.constant 0 : i32
    %dma_wait3A_330 = tpu.memref_slice %arg3[%dma_wait3A_328, %dma_wait3A_329] : memref<1000000x32xf32, #tpu.memory_space<hbm>> -> memref<1000000x32xf32, #tpu.memory_space<hbm>>
    tpu.wait_indirect_dma semaphore(%arg10 : memref<!tpu.dma_semaphore, #tpu.memory_space<semaphore_mem>>) src(%dma_wait3A_330 : memref<1000000x32xf32, #tpu.memory_space<hbm>>) dst(%dma_wait3A_325 : memref<640x32xf32, #tpu.memory_space<vmem>>)
    %add3A_331 = arith.constant 24960 : i32
    %add3A_332 = arith.addi %mul3A_2, %add3A_331 : i32
    %dma_start3A_333 = arith.constant 3 : i32
    %dma_start3A_334 = arith.constant 0 : i32
    %dma_start3A_335 = arith.constant 0 : i32
    %dma_start3A_336 = tpu.memref_slice %arg6[%dma_start3A_333, %dma_start3A_334, %dma_start3A_335] : memref<4x640x32xf32, #tpu.memory_space<vmem>> -> memref<1x640x32xf32, #tpu.memory_space<vmem>>
    %dma_start3A_337 = tpu.memref_squeeze %dma_start3A_336 : memref<1x640x32xf32, #tpu.memory_space<vmem>> -> memref<640x32xf32, #tpu.memory_space<vmem>>
    %dma_start3A_338 = arith.constant 0 : i32
    %dma_start3A_339 = tpu.memref_slice %arg4[%add3A_332, %dma_start3A_338] : memref<819200x32xf32, #tpu.memory_space<hbm>> -> memref<640x32xf32, #tpu.memory_space<hbm>>
    %dma_start3A_340 = arith.constant 0 : i32
    %dma_start3A_341 = tpu.memref_slice %arg4[%add3A_332, %dma_start3A_340] : memref<819200x32xf32, #tpu.memory_space<hbm>> -> memref<640x32xf32, #tpu.memory_space<hbm>>
    %dma_start3A_342 = arith.constant 0 : i32
    %dma_start3A_343 = arith.constant 0 : i32
    %dma_start3A_344 = tpu.memref_slice %arg6[%dma_start3A_333, %dma_start3A_342, %dma_start3A_343] : memref<4x640x32xf32, #tpu.memory_space<vmem>> -> memref<1x640x32xf32, #tpu.memory_space<vmem>>
    %dma_start3A_345 = tpu.memref_squeeze %dma_start3A_344 : memref<1x640x32xf32, #tpu.memory_space<vmem>> -> memref<640x32xf32, #tpu.memory_space<vmem>>
    tpu.enqueue_dma source(%dma_start3A_345 : memref<640x32xf32, #tpu.memory_space<vmem>>) target(%dma_start3A_341 : memref<640x32xf32, #tpu.memory_space<hbm>>) target_semaphore(%arg14 : memref<!tpu.dma_semaphore, #tpu.memory_space<semaphore_mem>>)
    %add3A_346 = arith.constant 23040 : i32
    %add3A_347 = arith.addi %mul3A_2, %add3A_346 : i32
    %dma_wait3A_348 = arith.constant 0 : i32
    %dma_wait3A_349 = arith.constant 0 : i32
    %dma_wait3A_350 = arith.constant 0 : i32
    %dma_wait3A_351 = tpu.memref_slice %arg6[%dma_wait3A_348, %dma_wait3A_349, %dma_wait3A_350] : memref<4x640x32xf32, #tpu.memory_space<vmem>> -> memref<1x640x32xf32, #tpu.memory_space<vmem>>
    %dma_wait3A_352 = tpu.memref_squeeze %dma_wait3A_351 : memref<1x640x32xf32, #tpu.memory_space<vmem>> -> memref<640x32xf32, #tpu.memory_space<vmem>>
    %dma_wait3A_353 = arith.constant 0 : i32
    %dma_wait3A_354 = tpu.memref_slice %arg4[%add3A_347, %dma_wait3A_353] : memref<819200x32xf32, #tpu.memory_space<hbm>> -> memref<640x32xf32, #tpu.memory_space<hbm>>
    %dma_wait3A_355 = arith.constant 0 : i32
    %dma_wait3A_356 = tpu.memref_slice %arg4[%add3A_347, %dma_wait3A_355] : memref<819200x32xf32, #tpu.memory_space<hbm>> -> memref<640x32xf32, #tpu.memory_space<hbm>>
    %dma_wait3A_357 = arith.constant 0 : i32
    %dma_wait3A_358 = arith.constant 0 : i32
    %dma_wait3A_359 = tpu.memref_slice %arg6[%dma_wait3A_348, %dma_wait3A_357, %dma_wait3A_358] : memref<4x640x32xf32, #tpu.memory_space<vmem>> -> memref<1x640x32xf32, #tpu.memory_space<vmem>>
    %dma_wait3A_360 = tpu.memref_squeeze %dma_wait3A_359 : memref<1x640x32xf32, #tpu.memory_space<vmem>> -> memref<640x32xf32, #tpu.memory_space<vmem>>
    tpu.wait_dma2 semaphore(%arg11 : memref<!tpu.dma_semaphore, #tpu.memory_space<semaphore_mem>>) src(%dma_wait3A_360 : memref<640x32xf32, #tpu.memory_space<vmem>>) dst(%dma_wait3A_356 : memref<640x32xf32, #tpu.memory_space<hbm>>)
    %add3A_361 = arith.constant 23680 : i32
    %add3A_362 = arith.addi %mul3A_2, %add3A_361 : i32
    %dma_wait3A_363 = arith.constant 1 : i32
    %dma_wait3A_364 = arith.constant 0 : i32
    %dma_wait3A_365 = arith.constant 0 : i32
    %dma_wait3A_366 = tpu.memref_slice %arg6[%dma_wait3A_363, %dma_wait3A_364, %dma_wait3A_365] : memref<4x640x32xf32, #tpu.memory_space<vmem>> -> memref<1x640x32xf32, #tpu.memory_space<vmem>>
    %dma_wait3A_367 = tpu.memref_squeeze %dma_wait3A_366 : memref<1x640x32xf32, #tpu.memory_space<vmem>> -> memref<640x32xf32, #tpu.memory_space<vmem>>
    %dma_wait3A_368 = arith.constant 0 : i32
    %dma_wait3A_369 = tpu.memref_slice %arg4[%add3A_362, %dma_wait3A_368] : memref<819200x32xf32, #tpu.memory_space<hbm>> -> memref<640x32xf32, #tpu.memory_space<hbm>>
    %dma_wait3A_370 = arith.constant 0 : i32
    %dma_wait3A_371 = tpu.memref_slice %arg4[%add3A_362, %dma_wait3A_370] : memref<819200x32xf32, #tpu.memory_space<hbm>> -> memref<640x32xf32, #tpu.memory_space<hbm>>
    %dma_wait3A_372 = arith.constant 0 : i32
    %dma_wait3A_373 = arith.constant 0 : i32
    %dma_wait3A_374 = tpu.memref_slice %arg6[%dma_wait3A_363, %dma_wait3A_372, %dma_wait3A_373] : memref<4x640x32xf32, #tpu.memory_space<vmem>> -> memref<1x640x32xf32, #tpu.memory_space<vmem>>
    %dma_wait3A_375 = tpu.memref_squeeze %dma_wait3A_374 : memref<1x640x32xf32, #tpu.memory_space<vmem>> -> memref<640x32xf32, #tpu.memory_space<vmem>>
    tpu.wait_dma2 semaphore(%arg12 : memref<!tpu.dma_semaphore, #tpu.memory_space<semaphore_mem>>) src(%dma_wait3A_375 : memref<640x32xf32, #tpu.memory_space<vmem>>) dst(%dma_wait3A_371 : memref<640x32xf32, #tpu.memory_space<hbm>>)
    %add3A_376 = arith.constant 24320 : i32
    %add3A_377 = arith.addi %mul3A_2, %add3A_376 : i32
    %dma_wait3A_378 = arith.constant 2 : i32
    %dma_wait3A_379 = arith.constant 0 : i32
    %dma_wait3A_380 = arith.constant 0 : i32
    %dma_wait3A_381 = tpu.memref_slice %arg6[%dma_wait3A_378, %dma_wait3A_379, %dma_wait3A_380] : memref<4x640x32xf32, #tpu.memory_space<vmem>> -> memref<1x640x32xf32, #tpu.memory_space<vmem>>
    %dma_wait3A_382 = tpu.memref_squeeze %dma_wait3A_381 : memref<1x640x32xf32, #tpu.memory_space<vmem>> -> memref<640x32xf32, #tpu.memory_space<vmem>>
    %dma_wait3A_383 = arith.constant 0 : i32
    %dma_wait3A_384 = tpu.memref_slice %arg4[%add3A_377, %dma_wait3A_383] : memref<819200x32xf32, #tpu.memory_space<hbm>> -> memref<640x32xf32, #tpu.memory_space<hbm>>
    %dma_wait3A_385 = arith.constant 0 : i32
    %dma_wait3A_386 = tpu.memref_slice %arg4[%add3A_377, %dma_wait3A_385] : memref<819200x32xf32, #tpu.memory_space<hbm>> -> memref<640x32xf32, #tpu.memory_space<hbm>>
    %dma_wait3A_387 = arith.constant 0 : i32
    %dma_wait3A_388 = arith.constant 0 : i32
    %dma_wait3A_389 = tpu.memref_slice %arg6[%dma_wait3A_378, %dma_wait3A_387, %dma_wait3A_388] : memref<4x640x32xf32, #tpu.memory_space<vmem>> -> memref<1x640x32xf32, #tpu.memory_space<vmem>>
    %dma_wait3A_390 = tpu.memref_squeeze %dma_wait3A_389 : memref<1x640x32xf32, #tpu.memory_space<vmem>> -> memref<640x32xf32, #tpu.memory_space<vmem>>
    tpu.wait_dma2 semaphore(%arg13 : memref<!tpu.dma_semaphore, #tpu.memory_space<semaphore_mem>>) src(%dma_wait3A_390 : memref<640x32xf32, #tpu.memory_space<vmem>>) dst(%dma_wait3A_386 : memref<640x32xf32, #tpu.memory_space<hbm>>)
    %add3A_391 = arith.constant 24960 : i32
    %add3A_392 = arith.addi %mul3A_2, %add3A_391 : i32
    %dma_wait3A_393 = arith.constant 3 : i32
    %dma_wait3A_394 = arith.constant 0 : i32
    %dma_wait3A_395 = arith.constant 0 : i32
    %dma_wait3A_396 = tpu.memref_slice %arg6[%dma_wait3A_393, %dma_wait3A_394, %dma_wait3A_395] : memref<4x640x32xf32, #tpu.memory_space<vmem>> -> memref<1x640x32xf32, #tpu.memory_space<vmem>>
    %dma_wait3A_397 = tpu.memref_squeeze %dma_wait3A_396 : memref<1x640x32xf32, #tpu.memory_space<vmem>> -> memref<640x32xf32, #tpu.memory_space<vmem>>
    %dma_wait3A_398 = arith.constant 0 : i32
    %dma_wait3A_399 = tpu.memref_slice %arg4[%add3A_392, %dma_wait3A_398] : memref<819200x32xf32, #tpu.memory_space<hbm>> -> memref<640x32xf32, #tpu.memory_space<hbm>>
    %dma_wait3A_400 = arith.constant 0 : i32
    %dma_wait3A_401 = tpu.memref_slice %arg4[%add3A_392, %dma_wait3A_400] : memref<819200x32xf32, #tpu.memory_space<hbm>> -> memref<640x32xf32, #tpu.memory_space<hbm>>
    %dma_wait3A_402 = arith.constant 0 : i32
    %dma_wait3A_403 = arith.constant 0 : i32
    %dma_wait3A_404 = tpu.memref_slice %arg6[%dma_wait3A_393, %dma_wait3A_402, %dma_wait3A_403] : memref<4x640x32xf32, #tpu.memory_space<vmem>> -> memref<1x640x32xf32, #tpu.memory_space<vmem>>
    %dma_wait3A_405 = tpu.memref_squeeze %dma_wait3A_404 : memref<1x640x32xf32, #tpu.memory_space<vmem>> -> memref<640x32xf32, #tpu.memory_space<vmem>>
    tpu.wait_dma2 semaphore(%arg14 : memref<!tpu.dma_semaphore, #tpu.memory_space<semaphore_mem>>) src(%dma_wait3A_405 : memref<640x32xf32, #tpu.memory_space<vmem>>) dst(%dma_wait3A_401 : memref<640x32xf32, #tpu.memory_space<hbm>>)
    return
  }
}

</mosaic_0001>

<sc_bundles>
// kernel: kernel.3.cloned.1.call-start
scs
__scs_entry_jumppad:
0x0: {  	(pc) =	sbr.rel $0x88, $3  }
0x1: {  	(tag) =	ssettag $0x0;
	lr =	simm.s32 $0x1  }
0x2: {  	[smem:$0x3F9F] =	sst lr;
	_ =	strace $0xD0000000  }
0x3: {  	_ = 	snop  }
0x4: {  	_ = 	snop  }
0x5: {  	_ = 	snop  }
0x6: {  	_ = 	snop  }
0x7: {  	_ = 	snop  }
__scs_overlays_trampoline_lowered:
0x8: {  	[smem:$0x3FAE] =	sst s0  }
0x9: {  	[smem:$0x3FAF] =	sst s1  }
0xa: {  	[smem:$0x3FB0] =	sst s2  }
0xb: {  	[smem:$0x3FB1] =	sst s3  }
0xc: {  	[smem:$0x3FB2] =	sst s4  }
0xd: {  	[smem:$0x3FB3] =	sst s5  }
0xe: {  	[smem:$0x3FB4] =	sst s6  }
0xf: {  	[smem:$0x3FB5] =	sst s7  }
0x10: {  	[smem:$0x3FB6] =	sst s8  }
0x11: {  	[smem:$0x3FB7] =	sst s9;
	s0 =	simm.s32 @!p0 $0x0  }
0x12: {  	s1 =	sld [smem:$0x3F9D];
	s0 =	simm.s32 @p0 $0x1  }
0x13: {  	[smem:$0x3FB8] =	sst s0;
	s0 =	simm.s32 @!p1 $0x0  }
0x14: {  	s2 =	sld [smem:$0x3F9C];
	s0 =	simm.s32 @p1 $0x1  }
0x15: {  	[smem:$0x3FB9] =	sst s0;
	s0 =	simm.s32 @!p2 $0x0  }
0x16: {  	s3 =	sld [smem:$0x3FDB];
	s0 =	simm.s32 @p2 $0x1  }
0x17: {  	s4 =	simm.s32 $0x1BF5;
	[smem:$0x3FBB] =	sst s0  }
0x18: {  	s0 =	sld [smem:$0x3F9E];
	_ =	swait.ge [sflag:s4], $0x0  }
0x19: {  	s7 =	sld [smem:$0x3F9F]  }
0x1a: {  	s8 =	sadd.s32 $0xFFFFE003, lr  }
0x1b: {  	s9 =	sadd.s32 $0xFFFFFEF7, lr;
	s5 =	simm.s32 $0xFFFFFFFF;
	p2 =	slt.u32 s8, $0xFFFFF086  }
0x1c: {  	p1 =	slt.u32 s9, $0xF7A;
	s5 =	simm.s32 @!p2 $0x0  }
0x1d: {  	s5 =	simm.s32 @p1 $0x1;
	p0 =	seq.s32 s7, s2  }
0x1e: {  	s7 =	smul.u32 @!p0 $0xF7A, s2;
	p2 =	seq.s32 @!p0 s5, $0x0  }
0x1f: {  	s9 =	smul.u32 $0xF7A, s1;
	s8 =	simm.s32 @!p0 $0x1BF5;
	p2 =	por !p2, p0  }
0x20: {  	[sflag:s8] =	ssyncset.s32 @!p0 $0xFFFFF086;
	s6 =	sadd.s32 @!p0 s3, s7;
	s7 =	simm.s32 @!p0 $0x108  }
0x21: {  	s3 =	sadd.s32 s3, s9;
	s6 =	sadd.s32 @!p0 $0x88, s6;
	s7 =	simm.s32 @p2 $0x1082  }
0x22: {  	[simem:s7], [sflag:s8] =	dma.local @!p0 [hbm:s6], $0xF7A  }
0x23: {  	s9 =	sor.u32 $0xD0000000, s2;
	s6 =	simm.s32 $0x108;
	_ =	swait.ge @!p0 [sflag:s8], $0x0  }
0x24: {  	s3 =	sadd.s32 $0x88, s3;
	s6 =	simm.s32 @!p1 $0x1082;
	[sflag:s4] =	ssyncset.s32 $0xFFFFF086  }
0x25: {  	[simem:s6], [sflag:s4] =	dma.local [hbm:s3], $0xF7A  }
0x26: {  	[smem:$0x3F9F] =	sst s1;
	(tag) =	ssettag s2;
	_ =	strace s9  }
0x27: {  	s1 =	sld [smem:$0x3FAF]  }
0x28: {  	s2 =	sld [smem:$0x3FB0]  }
0x29: {  	s4 =	sld [smem:$0x3FB2]  }
0x2a: {  	p0 =	seq.s32 s5, $0x0;
	s5 =	sld [smem:$0x3FB3]  }
0x2b: {  	s6 =	sld [smem:$0x3FB4]  }
0x2c: {  	s7 =	sld [smem:$0x3FB5]  }
0x2d: {  	s3 =	simm.s32 $0x108;
	s8 =	sld [smem:$0x3FB6]  }
0x2e: {  	s3 =	simm.s32 @!p0 $0x1082;
	s9 =	sld [smem:$0x3FB7]  }
0x2f: {  	lr =	sadd.s32 s0, s3;
	s0 =	sld [smem:$0x3FAE]  }
0x30: {  	s3 =	sld [smem:$0x3FB1]  }
0x31: {  	[smem:$0x3FBA] =	sst s10  }
0x32: {  	s10 =	sld [smem:$0x3FB8];
	_ =	sdelay $0x3  }
0x33: {  	p0 =	seq.s32 s10, $0x1;
	s10 =	sld [smem:$0x3FBA];
	_ =	sdelay $0x3  }
0x34: {  	[smem:$0x3FBA] =	sst s10  }
0x35: {  	s10 =	sld [smem:$0x3FB9];
	_ =	sdelay $0x3  }
0x36: {  	p1 =	seq.s32 s10, $0x1;
	s10 =	sld [smem:$0x3FBA];
	_ =	sdelay $0x3  }
0x37: {  	[smem:$0x3FBA] =	sst s10  }
0x38: {  	s10 =	sld [smem:$0x3FBB]  }
0x39: {  	_ = 	snop;
	(pc) =	sbr.ind lr, $3  }
0x3a: {  	_ = 	snop  }
0x3b: {  	_ = 	snop  }
0x3c: {  	p2 =	seq.s32 s10, $0x1;
	s10 =	sld [smem:$0x3FBA]  }
0x3d: {  	_ =	shalt  }
0x3e: {  	_ =	shalt  }
0x3f: {  	_ =	shalt  }
0x40: {  	_ =	shalt  }
0x41: {  	_ =	shalt  }
0x42: {  	_ =	shalt  }
0x43: {  	_ =	shalt  }
0x44: {  	_ =	shalt  }
0x45: {  	_ =	shalt  }
0x46: {  	_ =	shalt  }
0x47: {  	_ =	shalt  }
0x48: {  	_ =	shalt  }
0x49: {  	_ =	shalt  }
0x4a: {  	_ =	shalt  }
0x4b: {  	_ =	shalt  }
0x4c: {  	_ =	shalt  }
0x4d: {  	_ =	shalt  }
0x4e: {  	_ =	shalt  }
0x4f: {  	_ =	shalt  }
0x50: {  	_ =	shalt  }
0x51: {  	_ =	shalt  }
0x52: {  	_ =	shalt  }
0x53: {  	_ =	shalt  }
0x54: {  	_ =	shalt  }
0x55: {  	_ =	shalt  }
0x56: {  	_ =	shalt  }
0x57: {  	_ =	shalt  }
0x58: {  	_ =	shalt  }
0x59: {  	_ =	shalt  }
0x5a: {  	_ =	shalt  }
0x5b: {  	_ =	shalt  }
0x5c: {  	_ =	shalt  }
0x5d: {  	_ =	shalt  }
0x5e: {  	_ =	shalt  }
0x5f: {  	_ =	shalt  }
0x60: {  	_ =	shalt  }
0x61: {  	_ =	shalt  }
0x62: {  	_ =	shalt  }
0x63: {  	_ =	shalt  }
0x64: {  	_ =	shalt  }
0x65: {  	_ =	shalt  }
0x66: {  	_ =	shalt  }
0x67: {  	_ =	shalt  }
0x68: {  	_ =	shalt  }
0x69: {  	_ =	shalt  }
0x6a: {  	_ =	shalt  }
0x6b: {  	_ =	shalt  }
0x6c: {  	_ =	shalt  }
0x6d: {  	_ =	shalt  }
0x6e: {  	_ =	shalt  }
0x6f: {  	_ =	shalt  }
0x70: {  	_ =	shalt  }
0x71: {  	_ =	shalt  }
0x72: {  	_ =	shalt  }
0x73: {  	_ =	shalt  }
0x74: {  	_ =	shalt  }
0x75: {  	_ =	shalt  }
0x76: {  	_ =	shalt  }
0x77: {  	_ =	shalt  }
0x78: {  	_ =	shalt  }
0x79: {  	_ =	shalt  }
0x7a: {  	_ =	shalt  }
0x7b: {  	_ =	shalt  }
0x7c: {  	_ =	shalt  }
0x7d: {  	_ =	shalt  }
0x7e: {  	_ =	shalt  }
0x7f: {  	_ =	shalt  }
0x80: {  	_ =	shalt  }
0x81: {  	_ =	shalt  }
0x82: {  	_ =	shalt  }
0x83: {  	_ =	shalt  }
0x84: {  	_ =	shalt  }
0x85: {  	_ =	shalt  }
0x86: {  	_ =	shalt  }
0x87: {  	_ =	shalt  }
.Lfunc_end0:
.L_simem_size_0:
called_computation.1_lowered:
.L_overlay_start_0:
0x88: {  	s2 =	sld [smem:$0x3FD9]  }
0x89: {  	s3 =	sld [smem:$0x3FFE];
	_ =	sdelay $0x1  }
0x8a: {  	s1 =	srdreg.scid  }
0x8b: {  	s0 =	sand.u32 $0x1, s1  }
0x8c: {  	s17 =	sshll.u32 s0, $0xA;
	s2 =	sadd.s32 s3, s2  }
0x8d: {  	s2 =	sadd.s32 s2, s17  }
0x8e: {  	[smem:$0x3FC6] =	sst s2  }
0x8f: {  	_ = 	snop  }
0x90: {  	s2 =	sld [smem:$0x3FD0];
	(tm) =	ssettm $0x1  }
0x91: {  	s18 =	sld [smem:$0x3FFB];
	_ =	sdelay $0x3  }
0x92: {  	_ =	strace s18  }
0x93: {  	s3 =	sld [smem:$0x3FFC];
	_ =	sdelay $0x3  }
0x94: {  	_ =	strace s3  }
0x95: {  	s3 =	sld [smem:$0x3FFD];
	_ =	sdelay $0x3  }
0x96: {  	_ =	strace s3  }
0x97: {  	_ =	strace $0x8FFFFFFF  }
0x98: {  	s19 =	sld [smem:$0x3FDB];
	_ =	sdelay $0x1  }
0x99: {  	s4 =	simm.s32 $_scs_section_size  }
0x9a: {  	s5 =	simm.s32 $_size__tile_overlayer_lowered;
	s6 =	simm.s32 $_tile_overlayer_lowered  }
0x9b: {  	s22 =	simm.s32 $0x1BFF;
	s21 =	sshll.u32 s6, $0x1;
	s3 =	sadd.s32 s4, s19  }
0x9c: {  	s7 =	simm.s32 $0x0;
	s20 =	sshll.u32 s5, $0x1;
	s5 =	sadd.s32 s21, s3  }
0x9d: {  	[timem:s7], [sflag:s22] =	dma.local [hbm:s5], s20  }
0x9e: {  	_ =	swait.ge [sflag:s22], s20  }
0x9f: {  	s4 =	ssub.s32 $0x0, s20;
	[sflag:s22] =	ssyncset.done $0x0  }
0xa0: {  	[sflag:s22] =	ssyncadd.s32 s4;
	_ =	sdelay $0x1  }
0xa1: {  	s23 =	simm.s32 $0x1B8B  }
0xa2: {  	_ =	swait.ge [sflag:s23], $0x1  }
0xa3: {  	[sflag:s23] =	ssyncset.done $0x0  }
0xa4: {  	s25 =	simm.s32 $0x1B8E;
	s24 =	sld [smem:$0x3FFE];
	[sflag:s23] =	ssyncadd.s32 $0xFFFFFFFF  }
0xa5: {  	s26 =	simm.s32 $execute0_lowered;
	[smem:$0x3FD2] =	sst s25  }
0xa6: {  	s5 =	sshll.u32 s26, $0x1;
	_ =	strace $0x80000046;
	[dreg:$0x1] =	wrdreg $0xFFFFFFFF  }
0xa7: {  	s28 =	simm.s32 $_size_execute0_lowered;
	s3 =	sadd.s32 s3, s5;
	[dreg:$0x0] =	wrdreg $0x0  }
0xa8: {  	s5 =	sshll.u32 s28, $0x1;
	[dreg:$0x2] =	wrdreg s3  }
0xa9: {  	[dreg:$0x3] =	wrdreg s5  }
0xaa: {  	[dreg:$0x4] =	wrdreg $0xC0  }
0xab: {  	_ =	task [dreg:s7], $0x5FFFF  }
0xac: {  	[dreg:$0x1] =	wrdreg $0xFFFFFFFF  }
0xad: {  	[dreg:$0x0] =	wrdreg $0x60  }
0xae: {  	[dreg:$0x2] =	wrdreg s24  }
0xaf: {  	[dreg:$0x3] =	wrdreg s2  }
0xb0: {  	[dreg:$0x4] =	wrdreg $0x9  }
0xb1: {  	_ =	task.clear_ibuf [dreg:s7], $0x5FFFF;
	_ =	strace $0x90000046  }
0xb2: {  	s29 =	simm.s32 $0x9;
	_ =	strace $0x80000048  }
0xb3: {  	_ =	swait.ge [sflag:s29], $0x1  }
0xb4: {  	[sflag:s29] =	ssyncadd.s32 $0xFFFFFFFF  }
0xb5: {  	_ =	strace $0x90000048  }
0xb6: {  	_ =	sfence  }
0xb7: {  	s30 =	sld [smem:$0x0];
	_ =	sdelay $0x2  }
0xb8: {  	s31 =	sshll.u32 s1, $0xD;
	s1 =	sshrl.u32 s1, $0x2  }
0xb9: {  	s3 =	sand.u32 $0x4000, s31;
	s1 =	sadd.s32 s1, s30  }
0xba: {  	s0 =	sor.u32 s3, s0;
	s1 =	sshll.u32 s1, $0x11  }
0xbb: {  	s0 =	sor.u32 s1, s0  }
0xbc: {  	s0 =	sadd.s32 $0x8F2B, s0  }
0xbd: {  	[sflag:s0] =	ssyncadd.remote.s32 $0x1  }
0xbe: {  	_ =	sfence.sel $0xFFFF  }
0xbf: {  	[dreg:$0x0] =	wrdreg $0xFFFFFFFF;
	(pc) =	sbr.abs _section_cstart, $3  }
0xc0: {  	[dreg:$0x1] =	wrdreg $0xFFFFFFFF  }
0xc1: {  	_ =	task.clear_ibuf [dreg:s7], $0x2FFFF;
	_ =	strace $0x9FFFFFFF  }
0xc2: {  	(tm) =	ssettm $0x7FFFFFFF  }
0xc3: {  	_ =	shalt  }
tec
execute0_lowered:
.L_overlay_start_1:
0x0: {  	(tag) =	ssettag $0x1  }
0x1: {  	s0 =	srdreg.scid;
	s1 =	rddreg [dreg:$0x0]  }
0x2: {  	s9 =	stileid.u32;
	s4 =	rddreg [dreg:$0x1];
	s18 =	simm.s32 $0x9  }
0x3: {  	s19 =	simm.s32 $0x280;
	s20 =	simm.s32 $0x6400;
	s28 =	simm.s32 $0x15400  }
0x4: {  	s0 =	sand.u32 $0x1, s0;
	s2 =	sshll.u32 s9, $0x1;
	s9 =	smul.u32 $0xC800, s9  }
0x5: {  	s3 =	sor.u32 s0, s2;
	s7 =	ssub.s32 $0x2, s0;
	s0 =	smul.u32 $0x6400, s0  }
0x6: {  	s29 =	simm.s32 $0x3;
	s30 =	simm.s32 $0x5;
	s5 =	smul.u32 $0x6400, s3  }
0x7: {  	s31 =	simm.s32 $0x8;
	s2 =	simm.s32 $0x0;
	s6 =	smul.u32 $0x19000, s3  }
0x8: {  	[smem:$0x7FF] =	sst s2;
	s8 =	smul.u32 $0xC8000, s3;
	s3 =	sadd.s32 $0xF42E00, s1  }
0x9: {  	s21 =	sshrl.u32 s7, $0x1;
	_ =	strace $0x80000047;
	s0 =	sadd.s32 s0, s9  }
0xa: {  	s5 =	sshrl.u32 s5, $0x3;
	s22 =	sshrl.u32 s8, $0x3;
	s0 =	sshll.u32 s0, $0x2  }
0xb: {  	s5 =	sadd.s32 s5, s1;
	s1 =	ssub.s32 s7, s21;
	s23 =	sadd.s32 s4, s22  }
0xc: {  	s0 =	sadd.s32 s4, s0;
	s21 =	simm.s32 $0xB400;
	s22 =	simm.s32 $0x1  }
0xd: {  	s5 =	sadd.s32 $0xA00, s5;
	s25 =	sadd.s32 $0x1400, s23;
	s26 =	sadd.s32 $0x1E00, s23  }
0xe: {  	s9 =	sadd.s32 $0x16800, s23;
	s10 =	sadd.s32 $0x17200, s23;
	s11 =	sadd.s32 $0x17C00, s23  }
0xf: {  	s12 =	sadd.s32 $0x18600, s23;
	s13 =	smax.u32 s1, $0x1;
	s14 =	sadd.s32 $0x3200, s0  }
0x10: {  	s15 =	sadd.s32 $0x4600, s0;
	s16 =	sadd.s32 $0x3C00, s0;
	s17 =	sadd.s32 $0x2800, s0  }
0x11: {  	s1 =	simm.s32 $0x4;
	s0 =	simm.s32 $0x6;
	[dreg:$0x3] =	wrdreg s5  }
0x12: {  	s23 =	simm.s32 $0x0;
	s5 =	sadd.s32 s4, s6;
	[dreg:$0x5] =	wrdreg s25  }
0x13: {  	[dreg:$0x6] =	wrdreg s26;
	s25 =	simm.s32 $0x2;
	s24 =	sadd.s32 $0xA00, s5  }
0x14: {  	s26 =	simm.s32 $0x7;
	[dreg:$0x4] =	wrdreg s24;
	s24 =	simm.s32 $0x10400  }
.LBB2_1:
0x15: {  	s4 =	rddreg [dreg:$0x3]  }
0x16: {  	[tilespmem:s2], [sflag:$0x9] =	stream.linear.gather [hbm4b:s4+s2], $0x6400, $0x38;
	[tilespmem:$0x1A400] =	vst v63  }
0x17: {  	_ =	swait.ge [sflag:s18], $0x6400  }
0x18: {  	[sflag:s18] =	ssyncset.done $0x0  }
0x19: {  	[sflag:s18] =	ssyncadd.s32 $0xFFFF9C00  }
0x1a: {  	[tilespmem:s20], [sflag:$0x1] =	stream.indirect.gather [hbm4b:s3+s19], $0x20, s2, s19, $0xb8;
	[tilespmem:$0x1A400] =	vst v63  }
0x1b: {  	_ = 	snop  }
0x1c: {  	[tilespmem:s21], [sflag:$0x2] =	stream.indirect.gather [hbm4b:s3+s19], $0x20, s19, s19, $0xb8;
	[tilespmem:$0x1A400] =	vst v63  }
0x1d: {  	_ =	swait.ge [sflag:s22], $0x5000  }
0x1e: {  	[sflag:s22] =	ssyncset.done $0x0  }
0x1f: {  	[sflag:s22] =	ssyncadd.s32 $0xFFFFB000  }
0x20: {  	[hbm4b:s5+s2] =	stream.linear.scatter [tilespmem:s20], [sflag:$0x5], $0x5000, $0x38;
	[tilespmem:$0x1A400] =	vst v63  }
0x21: {  	s7 =	simm.s32 $0x500  }
0x22: {  	[tilespmem:s24], [sflag:$0x3] =	stream.indirect.gather [hbm4b:s3+s19], $0x20, s7, s19, $0xb8;
	[tilespmem:$0x1A400] =	vst v63  }
0x23: {  	_ =	swait.ge [sflag:s25], $0x5000  }
0x24: {  	[sflag:s25] =	ssyncset.done $0x0  }
0x25: {  	s8 =	rddreg [dreg:$0x4];
	[sflag:s25] =	ssyncadd.s32 $0xFFFFB000  }
0x26: {  	[hbm4b:s8+s2] =	stream.linear.scatter [tilespmem:s21], [sflag:$0x6], $0x5000, $0x38;
	[tilespmem:$0x1A400] =	vst v63  }
0x27: {  	s6 =	simm.s32 $0x780  }
0x28: {  	[tilespmem:s28], [sflag:$0x4] =	stream.indirect.gather [hbm4b:s3+s19], $0x20, s6, s19, $0xb8;
	[tilespmem:$0x1A400] =	vst v63  }
0x29: {  	_ =	swait.ge [sflag:s29], $0x5000  }
0x2a: {  	[sflag:s29] =	ssyncset.done $0x0  }
0x2b: {  	s7 =	rddreg [dreg:$0x5];
	[sflag:s29] =	ssyncadd.s32 $0xFFFFB000  }
0x2c: {  	[hbm4b:s7+s2] =	stream.linear.scatter [tilespmem:s24], [sflag:$0x7], $0x5000, $0x38;
	[tilespmem:$0x1A400] =	vst v63  }
0x2d: {  	_ =	swait.ge [sflag:s30], $0x5000  }
0x2e: {  	[sflag:s30] =	ssyncset.done $0x0  }
0x2f: {  	s8 =	simm.s32 $0xA00;
	[sflag:s30] =	ssyncadd.s32 $0xFFFFB000  }
0x30: {  	[tilespmem:s20], [sflag:$0x1] =	stream.indirect.gather [hbm4b:s3+s19], $0x20, s8, s19, $0xb8;
	[tilespmem:$0x1A400] =	vst v63  }
0x31: {  	_ =	swait.ge [sflag:s1], $0x5000  }
0x32: {  	[sflag:s1] =	ssyncset.done $0x0  }
0x33: {  	s6 =	rddreg [dreg:$0x6];
	[sflag:s1] =	ssyncadd.s32 $0xFFFFB000  }
0x34: {  	[hbm4b:s6+s2] =	stream.linear.scatter [tilespmem:s28], [sflag:$0x8], $0x5000, $0x38;
	[tilespmem:$0x1A400] =	vst v63  }
0x35: {  	_ =	swait.ge [sflag:s0], $0x5000  }
0x36: {  	[sflag:s0] =	ssyncset.done $0x0  }
0x37: {  	s7 =	simm.s32 $0xC80;
	[sflag:s0] =	ssyncadd.s32 $0xFFFFB000  }
0x38: {  	[tilespmem:s21], [sflag:$0x2] =	stream.indirect.gather [hbm4b:s3+s19], $0x20, s7, s19, $0xb8;
	[tilespmem:$0x1A400] =	vst v63  }
0x39: {  	_ =	swait.ge [sflag:s22], $0x5000  }
0x3a: {  	[sflag:s22] =	ssyncset.done $0x0  }
0x3b: {  	s8 =	sadd.s32 $0x0, s17;
	[sflag:s22] =	ssyncadd.s32 $0xFFFFB000  }
0x3c: {  	[hbm4b:s8+s2] =	stream.linear.scatter [tilespmem:s20], [sflag:$0x5], $0x5000, $0x38;
	[tilespmem:$0x1A400] =	vst v63  }
0x3d: {  	_ =	swait.ge [sflag:s26], $0x5000  }
0x3e: {  	[sflag:s26] =	ssyncset.done $0x0  }
0x3f: {  	s6 =	simm.s32 $0xF00;
	[sflag:s26] =	ssyncadd.s32 $0xFFFFB000  }
0x40: {  	[tilespmem:s24], [sflag:$0x3] =	stream.indirect.gather [hbm4b:s3+s19], $0x20, s6, s19, $0xb8;
	[tilespmem:$0x1A400] =	vst v63  }
0x41: {  	_ =	swait.ge [sflag:s25], $0x5000  }
0x42: {  	[sflag:s25] =	ssyncset.done $0x0  }
0x43: {  	s7 =	sadd.s32 $0x0, s14;
	[sflag:s25] =	ssyncadd.s32 $0xFFFFB000  }
0x44: {  	[hbm4b:s7+s2] =	stream.linear.scatter [tilespmem:s21], [sflag:$0x6], $0x5000, $0x38;
	[tilespmem:$0x1A400] =	vst v63  }
0x45: {  	_ =	swait.ge [sflag:s31], $0x5000  }
0x46: {  	[sflag:s31] =	ssyncset.done $0x0  }
0x47: {  	s8 =	simm.s32 $0x1180;
	[sflag:s31] =	ssyncadd.s32 $0xFFFFB000  }
0x48: {  	[tilespmem:s28], [sflag:$0x4] =	stream.indirect.gather [hbm4b:s3+s19], $0x20, s8, s19, $0xb8;
	[tilespmem:$0x1A400] =	vst v63  }
0x49: {  	_ =	swait.ge [sflag:s29], $0x5000  }
0x4a: {  	[sflag:s29] =	ssyncset.done $0x0  }
0x4b: {  	s6 =	sadd.s32 $0x0, s16;
	[sflag:s29] =	ssyncadd.s32 $0xFFFFB000  }
0x4c: {  	[hbm4b:s6+s2] =	stream.linear.scatter [tilespmem:s24], [sflag:$0x7], $0x5000, $0x38;
	[tilespmem:$0x1A400] =	vst v63  }
0x4d: {  	_ =	swait.ge [sflag:s30], $0x5000  }
0x4e: {  	[sflag:s30] =	ssyncset.done $0x0  }
0x4f: {  	s7 =	simm.s32 $0x1400;
	[sflag:s30] =	ssyncadd.s32 $0xFFFFB000  }
0x50: {  	[tilespmem:s20], [sflag:$0x1] =	stream.indirect.gather [hbm4b:s3+s19], $0x20, s7, s19, $0xb8;
	[tilespmem:$0x1A400] =	vst v63  }
0x51: {  	_ =	swait.ge [sflag:s1], $0x5000  }
0x52: {  	[sflag:s1] =	ssyncset.done $0x0  }
0x53: {  	s8 =	sadd.s32 $0x0, s15;
	[sflag:s1] =	ssyncadd.s32 $0xFFFFB000  }
0x54: {  	[hbm4b:s8+s2] =	stream.linear.scatter [tilespmem:s28], [sflag:$0x8], $0x5000, $0x38;
	[tilespmem:$0x1A400] =	vst v63  }
0x55: {  	_ =	swait.ge [sflag:s0], $0x5000  }
0x56: {  	[sflag:s0] =	ssyncset.done $0x0  }
0x57: {  	s4 =	simm.s32 $0x2800;
	s6 =	simm.s32 $0x1680;
	[sflag:s0] =	ssyncadd.s32 $0xFFFFB000  }
.LBB2_2:
0x58: {  	[tilespmem:s21], [sflag:$0x2] =	stream.indirect.gather [hbm4b:s3+s19], $0x20, s6, s19, $0xb8;
	[tilespmem:$0x1A400] =	vst v63  }
0x59: {  	s6 =	smov.u32 s4  }
0x5a: {  	p0 =	sne.s32 s4, $0x11800;
	s4 =	sadd.s32 $0x2800, s4;
	_ =	swait.ge [sflag:s22], $0x5000  }
0x5b: {  	[sflag:s22] =	ssyncset.done $0x0  }
0x5c: {  	s7 =	sadd.s32 s6, s17;
	[sflag:s22] =	ssyncadd.s32 $0xFFFFB000  }
0x5d: {  	[hbm4b:s7+s2] =	stream.linear.scatter [tilespmem:s20], [sflag:$0x5], $0x5000, $0x38;
	[tilespmem:$0x1A400] =	vst v63  }
0x5e: {  	_ =	swait.ge [sflag:s26], $0x5000  }
0x5f: {  	s7 =	sshra.s32 s6, $0x2;
	[sflag:s26] =	ssyncset.done $0x0  }
0x60: {  	s8 =	sadd.s32 $0xF00, s7;
	[sflag:s26] =	ssyncadd.s32 $0xFFFFB000  }
0x61: {  	[tilespmem:s24], [sflag:$0x3] =	stream.indirect.gather [hbm4b:s3+s19], $0x20, s8, s19, $0xb8;
	[tilespmem:$0x1A400] =	vst v63  }
0x62: {  	_ =	swait.ge [sflag:s25], $0x5000  }
0x63: {  	[sflag:s25] =	ssyncset.done $0x0  }
0x64: {  	s8 =	sadd.s32 s6, s14;
	[sflag:s25] =	ssyncadd.s32 $0xFFFFB000  }
0x65: {  	[hbm4b:s8+s2] =	stream.linear.scatter [tilespmem:s21], [sflag:$0x6], $0x5000, $0x38;
	[tilespmem:$0x1A400] =	vst v63  }
0x66: {  	_ =	swait.ge [sflag:s31], $0x5000  }
0x67: {  	[sflag:s31] =	ssyncset.done $0x0  }
0x68: {  	s8 =	sadd.s32 $0x1180, s7;
	[sflag:s31] =	ssyncadd.s32 $0xFFFFB000  }
0x69: {  	[tilespmem:s28], [sflag:$0x4] =	stream.indirect.gather [hbm4b:s3+s19], $0x20, s8, s19, $0xb8;
	[tilespmem:$0x1A400] =	vst v63  }
0x6a: {  	_ =	swait.ge [sflag:s29], $0x5000  }
0x6b: {  	[sflag:s29] =	ssyncset.done $0x0  }
0x6c: {  	s8 =	sadd.s32 s6, s16;
	[sflag:s29] =	ssyncadd.s32 $0xFFFFB000  }
0x6d: {  	[hbm4b:s8+s2] =	stream.linear.scatter [tilespmem:s24], [sflag:$0x7], $0x5000, $0x38;
	[tilespmem:$0x1A400] =	vst v63  }
0x6e: {  	_ =	swait.ge [sflag:s30], $0x5000  }
0x6f: {  	[sflag:s30] =	ssyncset.done $0x0  }
0x70: {  	s8 =	sadd.s32 $0x1400, s7;
	[sflag:s30] =	ssyncadd.s32 $0xFFFFB000  }
0x71: {  	[tilespmem:s20], [sflag:$0x1] =	stream.indirect.gather [hbm4b:s3+s19], $0x20, s8, s19, $0xb8;
	[tilespmem:$0x1A400] =	vst v63  }
0x72: {  	_ =	swait.ge [sflag:s1], $0x5000  }
0x73: {  	[sflag:s1] =	ssyncset.done $0x0  }
.Ltmp0:
0x74: {  	s6 =	sadd.s32 s6, s15;
	[sflag:s1] =	ssyncadd.s32 $0xFFFFB000;
	(pc) =	sbr.rel @p0 .LBB2_2-.Ltmp0, $4  }
0x75: {  	[hbm4b:s6+s2] =	stream.linear.scatter [tilespmem:s28], [sflag:$0x8], $0x5000, $0x38;
	[tilespmem:$0x1A400] =	vst v63  }
0x76: {  	_ =	swait.ge [sflag:s0], $0x5000  }
0x77: {  	[sflag:s0] =	ssyncset.done $0x0  }
0x78: {  	s6 =	sadd.s32 $0x1680, s7;
	[sflag:s0] =	ssyncadd.s32 $0xFFFFB000  }
0x79: {  	[tilespmem:s21], [sflag:$0x2] =	stream.indirect.gather [hbm4b:s3+s19], $0x20, s6, s19, $0xb8;
	[tilespmem:$0x1A400] =	vst v63  }
0x7a: {  	_ =	swait.ge [sflag:s22], $0x5000  }
0x7b: {  	[sflag:s22] =	ssyncset.done $0x0  }
0x7c: {  	[sflag:s22] =	ssyncadd.s32 $0xFFFFB000  }
0x7d: {  	[hbm4b:s9+s2] =	stream.linear.scatter [tilespmem:s20], [sflag:$0x5], $0x5000, $0x38;
	[tilespmem:$0x1A400] =	vst v63  }
0x7e: {  	_ =	swait.ge [sflag:s26], $0x5000  }
0x7f: {  	[sflag:s26] =	ssyncset.done $0x0  }
0x80: {  	s4 =	simm.s32 $0x5F00;
	[sflag:s26] =	ssyncadd.s32 $0xFFFFB000  }
0x81: {  	[tilespmem:s24], [sflag:$0x3] =	stream.indirect.gather [hbm4b:s3+s19], $0x20, s4, s19, $0xb8;
	[tilespmem:$0x1A400] =	vst v63  }
0x82: {  	_ =	swait.ge [sflag:s25], $0x5000  }
0x83: {  	[sflag:s25] =	ssyncset.done $0x0  }
0x84: {  	[sflag:s25] =	ssyncadd.s32 $0xFFFFB000  }
0x85: {  	[hbm4b:s10+s2] =	stream.linear.scatter [tilespmem:s21], [sflag:$0x6], $0x5000, $0x38;
	[tilespmem:$0x1A400] =	vst v63  }
0x86: {  	_ =	swait.ge [sflag:s31], $0x5000  }
0x87: {  	[sflag:s31] =	ssyncset.done $0x0  }
0x88: {  	s8 =	simm.s32 $0x6180;
	[sflag:s31] =	ssyncadd.s32 $0xFFFFB000  }
0x89: {  	[tilespmem:s28], [sflag:$0x4] =	stream.indirect.gather [hbm4b:s3+s19], $0x20, s8, s19, $0xb8;
	[tilespmem:$0x1A400] =	vst v63  }
0x8a: {  	_ =	swait.ge [sflag:s29], $0x5000  }
0x8b: {  	[sflag:s29] =	ssyncset.done $0x0  }
0x8c: {  	[sflag:s29] =	ssyncadd.s32 $0xFFFFB000  }
0x8d: {  	[hbm4b:s11+s2] =	stream.linear.scatter [tilespmem:s24], [sflag:$0x7], $0x5000, $0x38;
	[tilespmem:$0x1A400] =	vst v63  }
0x8e: {  	_ =	swait.ge [sflag:s1], $0x5000  }
0x8f: {  	[sflag:s1] =	ssyncset.done $0x0  }
0x90: {  	[sflag:s1] =	ssyncadd.s32 $0xFFFFB000  }
0x91: {  	[hbm4b:s12+s2] =	stream.linear.scatter [tilespmem:s28], [sflag:$0x8], $0x5000, $0x38;
	[tilespmem:$0x1A400] =	vst v63  }
0x92: {  	_ =	swait.ge [sflag:s30], $0x5000  }
0x93: {  	[sflag:s30] =	ssyncset.done $0x0  }
0x94: {  	[sflag:s30] =	ssyncadd.s32 $0xFFFFB000  }
0x95: {  	_ =	swait.ge [sflag:s0], $0x5000  }
0x96: {  	[sflag:s0] =	ssyncset.done $0x0  }
0x97: {  	s23 =	sadd.s32 $0x1, s23;
	[sflag:s0] =	ssyncadd.s32 $0xFFFFB000  }
0x98: {  	p0 =	sne.s32 s23, s13;
	_ =	swait.ge [sflag:s26], $0x5000  }
.Ltmp1:
0x99: {  	[sflag:s26] =	ssyncset.done $0x0;
	(pc) =	sbr.rel @p0 .LBB2_1-.Ltmp1, $4  }
0x9a: {  	[sflag:s26] =	ssyncadd.s32 $0xFFFFB000  }
0x9b: {  	_ =	swait.ge [sflag:s31], $0x5000  }
0x9c: {  	[sflag:s31] =	ssyncset.done $0x0  }
0x9d: {  	[sflag:s31] =	ssyncadd.s32 $0xFFFFB000  }
0x9e: {  	_ =	sfence.sel $0x180000  }
0x9f: {  	[bflag:$0x0] =	sbarrier.arrive $0xFFFF  }
0xa0: {  	_ =	strace $0x90000047  }
0xa1: {  	s0 =	stileid.u32;
	[bflag:$0x2] =	sbarrier.arrive $0xFFFF  }
0xa2: {  	p0 =	sne.s32 s0, $0x0;
	s0 =	rddreg [dreg:$0x2]  }
0xa3: {  	s0 =	sadd.s32 @!p0 $0x100000, s0  }
0xa4: {  	[sflag:s0] =	ssyncadd.tile.s32 @!p0 $0x1;
	_ =	shalt  }
.Lfunc_end2:
_tile_overlayer_lowered:
.L_overlay_start_2:
0xa5: {  	(tag) =	ssettag $0x2  }
0xa6: {  	s0 =	rddreg [dreg:$0x0];
	s2 =	stileid.u32  }
0xa7: {  	s1 =	rddreg [dreg:$0x1];
	p0 =	sne.s32 s2, $0x0  }
0xa8: {  	s3 =	rddreg [dreg:$0x2];
	[bflag:$0x3] =	sbarrier.arrive $0xFFFF;
	s2 =	simm.s32 @!p0 $0x1C09  }
0xa9: {  	[timem:s3], [sflag:s2] =	dma.local @!p0 [hbm:s0], s1  }
0xaa: {  	s0 =	simm.s32 @!p0 $0x9  }
0xab: {  	_ =	swait.ge @!p0 [sflag:s0], s1  }
0xac: {  	s1 =	ssub.s32 @!p0 $0x0, s1;
	[sflag:s0] =	ssyncset.done @!p0 $0x0  }
0xad: {  	[sflag:s0] =	ssyncadd.s32 @!p0 s1  }
0xae: {  	[bflag:$0x3] =	sbarrier.arrive $0xFFFF  }
0xaf: {  	_ =	shalt  }

// kernel: sparse-core-data-format-call.cloned.1.call-start
scs
called_computation_lowered:
.L_overlay_start_0:
0x0: {  	s2 =	sld [smem:$0x3FD9]  }
0x1: {  	s3 =	sld [smem:$0x3FFE];
	_ =	sdelay $0x1  }
0x2: {  	s1 =	srdreg.scid  }
0x3: {  	s0 =	sand.u32 $0x1, s1  }
0x4: {  	s18 =	sshll.u32 s0, $0xA;
	s2 =	sadd.s32 s3, s2  }
0x5: {  	s2 =	sadd.s32 s2, s18  }
0x6: {  	[smem:$0x3FC6] =	sst s2  }
0x7: {  	_ = 	snop  }
0x8: {  	s2 =	sld [smem:$0x3FD0];
	(tm) =	ssettm $0x1  }
0x9: {  	s19 =	sld [smem:$0x3FFB];
	_ =	sdelay $0x3  }
0xa: {  	_ =	strace s19  }
0xb: {  	s3 =	sld [smem:$0x3FFC];
	_ =	sdelay $0x3  }
0xc: {  	_ =	strace s3  }
0xd: {  	s3 =	sld [smem:$0x3FFD];
	_ =	sdelay $0x3  }
0xe: {  	_ =	strace s3  }
0xf: {  	_ =	strace $0x8FFFFFFF  }
0x10: {  	s20 =	sld [smem:$0x3FDB];
	_ =	sdelay $0x1  }
0x11: {  	s4 =	simm.s32 $_scs_section_size  }
0x12: {  	s5 =	simm.s32 $_size__tile_overlayer_lowered;
	s6 =	simm.s32 $_tile_overlayer_lowered  }
0x13: {  	s23 =	simm.s32 $0x1BFF;
	s22 =	sshll.u32 s6, $0x1;
	s3 =	sadd.s32 s4, s20  }
0x14: {  	s7 =	simm.s32 $0x0;
	s21 =	sshll.u32 s5, $0x1;
	s5 =	sadd.s32 s22, s3  }
0x15: {  	[timem:s7], [sflag:s23] =	dma.local [hbm:s5], s21  }
0x16: {  	_ =	swait.ge [sflag:s23], s21  }
0x17: {  	s4 =	ssub.s32 $0x0, s21;
	[sflag:s23] =	ssyncset.done $0x0  }
0x18: {  	[sflag:s23] =	ssyncadd.s32 s4;
	_ =	sdelay $0x1  }
0x19: {  	s24 =	simm.s32 $0x1B8B  }
0x1a: {  	_ =	swait.ge [sflag:s24], $0x1  }
0x1b: {  	[sflag:s24] =	ssyncset.done $0x0  }
0x1c: {  	s26 =	simm.s32 $0x1B8E;
	s25 =	sld [smem:$0x3FFE];
	[sflag:s24] =	ssyncadd.s32 $0xFFFFFFFF  }
0x1d: {  	s27 =	simm.s32 $execute0_lowered;
	[smem:$0x3FD2] =	sst s26  }
0x1e: {  	s5 =	sshll.u32 s27, $0x1;
	_ =	strace $0x80000049;
	[dreg:$0x1] =	wrdreg $0xFFFFFFFF  }
0x1f: {  	s28 =	simm.s32 $_size_execute0_lowered;
	s3 =	sadd.s32 s3, s5;
	[dreg:$0x0] =	wrdreg $0x0  }
0x20: {  	s5 =	sshll.u32 s28, $0x1;
	[dreg:$0x2] =	wrdreg s3  }
0x21: {  	[dreg:$0x3] =	wrdreg s5  }
0x22: {  	[dreg:$0x4] =	wrdreg $0xC0  }
0x23: {  	_ =	task [dreg:s7], $0x5FFFF  }
0x24: {  	[dreg:$0x1] =	wrdreg $0xFFFFFFFF  }
0x25: {  	[dreg:$0x0] =	wrdreg $0x60  }
0x26: {  	[dreg:$0x2] =	wrdreg s25  }
0x27: {  	[dreg:$0x3] =	wrdreg s2  }
0x28: {  	[dreg:$0x4] =	wrdreg $0x9  }
0x29: {  	_ =	task.clear_ibuf [dreg:s7], $0x5FFFF;
	_ =	strace $0x90000049  }
0x2a: {  	s29 =	simm.s32 $0x9;
	_ =	strace $0x8000004B  }
0x2b: {  	_ =	swait.ge [sflag:s29], $0x1  }
0x2c: {  	[sflag:s29] =	ssyncadd.s32 $0xFFFFFFFF  }
0x2d: {  	_ =	strace $0x9000004B  }
0x2e: {  	_ =	sfence  }
0x2f: {  	s30 =	sld [smem:$0x0];
	_ =	sdelay $0x2  }
0x30: {  	s31 =	sshll.u32 s1, $0xD;
	s1 =	sshrl.u32 s1, $0x2  }
0x31: {  	s3 =	sand.u32 $0x4000, s31;
	s1 =	sadd.s32 s1, s30  }
0x32: {  	s0 =	sor.u32 s3, s0;
	s1 =	sshll.u32 s1, $0x11  }
0x33: {  	s0 =	sor.u32 s1, s0  }
0x34: {  	s0 =	sadd.s32 $0x8F2B, s0  }
0x35: {  	[sflag:s0] =	ssyncadd.remote.s32 $0x1  }
0x36: {  	_ =	sfence.sel $0xFFFF  }
0x37: {  	[dreg:$0x0] =	wrdreg $0xFFFFFFFF;
	(pc) =	sbr.abs _section_cstart, $3  }
0x38: {  	[dreg:$0x1] =	wrdreg $0xFFFFFFFF  }
0x39: {  	_ =	task.clear_ibuf [dreg:s7], $0x2FFFF;
	_ =	strace $0x9FFFFFFF  }
0x3a: {  	(tm) =	ssettm $0x7FFFFFFF  }
0x3b: {  	_ =	shalt  }
tec
execute0_lowered:
.L_overlay_start_1:
0x0: {  	(tag) =	ssettag $0x1  }
0x1: {  	s0 =	srdreg.scid  }
0x2: {  	s1 =	sshll.u32 s0, $0x4  }
0x3: {  	s0 =	stileid.u32;
	s1 =	sand.u32 $0x10, s1  }
0x4: {  	s1 =	sor.u32 s0, s1  }
0x5: {  	s6 =	rddreg [dreg:$0x0];
	s4 =	simm.s32 $0x1;
	s2 =	sshll.u32 s1, $0x7  }
0x6: {  	s7 =	simm.s32 $0x2;
	s12 =	simm.s32 $0x0;
	s1 =	ssub.s32 $0x1000, s2  }
0x7: {  	s8 =	simm.s32 $0x8000;
	s13 =	simm.s32 $0x0;
	s3 =	sand.u32 $0xF80, s1  }
0x8: {  	s9 =	simm.s32 $0x0;
	s5 =	sshrl.u32 s1, $0xC;
	p0 =	sne.s32 s3, $0x0  }
.Ltmp0:
0x9: {  	s1 =	rddreg [dreg:$0x2];
	s4 =	simm.s32 @!p0 $0x0;
	(pc) =	sbr.rel .LBB1_1-.Ltmp0, $4  }
0xa: {  	s11 =	simm.s32 $0x0;
	s3 =	rddreg [dreg:$0x1];
	s5 =	sadd.s32 s4, s5  }
0xb: {  	_ =	strace $0x8000004A;
	s4 =	simm.s32 $0x1;
	s5 =	smul.u32 $0xC8, s5  }
0xc: {  	s6 =	sadd.s32 $0xA00, s6;
	s10 =	smov.u32 s2;
	[sflag:s4] =	ssyncpa.u1 $0x0  }
0xd: {  	p0 =	por $0x0, $0x0;
	[sflag:s7] =	ssyncpa.u1 $0x0;
	s7 =	sor.u32 $0x1, s5  }
.LBB1_4:
0xe: {  	s16 =	sshll.u32 s13, $0x3;
	s17 =	sand.u32 $0x78, s13  }
0xf: {  	s30 =	sand.u32 $0x3E00, s13;
	s12 =	sshll.u32 s12, $0xE;
	s16 =	sand.u32 $0xC00, s16  }
0x10: {  	s31 =	sand.u32 $0x7, s13;
	s16 =	sor.u32 s17, s16;
	s17 =	sadd.s32 s3, s30  }
0x11: {  	s13 =	sshll.u32 s31, $0x12;
	s16 =	sshrl.u32 s16, $0x3;
	s12 =	sadd.s32 s12, s17  }
0x12: {  	[tilespmem:s15+$0x0 ss:$0x81] =	vst.msk $0xffff, v0;
	s13 =	sor.u32 $0x400, s13;
	s12 =	sadd.s32 s16, s12  }
0x13: {  	[hbm4b:s12+s13] =	stream.strided.scatter [tilespmem:s14], [sflag:$0x2], $0x1000, s8, s13, $0x20;
	[tilespmem:$0x4040] =	vst v63  }
.LBB1_5:
0x14: {  	s14 =	sadd.s32 $0x1, s9  }
0x15: {  	s12 =	sadd.s32 $0x1000, s10;
	s16 =	smov.u32 s10;
	p2 =	sgt.s32 s14, $0xC7  }
0x16: {  	s16 =	smov.u32 @p2 s12  }
0x17: {  	s14 =	simm.s32 @p2 $0x0;
	p2 =	sgt.s32 s16, $0xFFF  }
0x18: {  	s16 =	smov.u32 @p2 s2;
	p2 =	sne.s32 s11, s7  }
.Ltmp1:
0x19: {  	p1 =	slt.u32 s11, $0x2;
	(pc) =	sbr.rel @!p2 .LBB1_6-.Ltmp1, $4  }
0x1a: {  	s15 =	simm.s32 @!p1 $0x2  }
0x1b: {  	s13 =	smov.u32 s10;
	p0 =	por !p0, !p0;
	_ =	swait.ge @!p1 [sflag:s15], $0x1000  }
0x1c: {  	s12 =	smov.u32 s9;
	[sflag:s15] =	ssyncset.done @!p1 $0x0;
	s9 =	smov.u32 s14  }
0x1d: {  	s11 =	sadd.s32 $0x1, s11;
	[sflag:s15] =	ssyncadd.s32 @!p1 $0xFFFFF000;
	s10 =	smov.u32 s16  }
.LBB1_1:
0x1e: {  	p1 =	sge.u32 s11, s5  }
0x1f: {  	s14 =	sand.u32 @!p1 $0x1FFFFFF, s9  }
0x20: {  	s15 =	smulhi.u32 @!p1 $0x147AE15, s14;
	_ =	sdelay $0x1  }
0x21: {  	s15 =	smul.u32 @!p1 $0xC8, s15  }
0x22: {  	s16 =	sxor.u32 @!p1 $0xFFFFFFFF, s11;
	s17 =	smul.u32 @!p1 $0xC80, s10  }
0x23: {  	s31 =	sadd.s32 $0xFFFFFFFF, s11;
	s16 =	sshll.u32 @!p1 s16, $0xC;
	s14 =	ssub.s32 @!p1 s14, s15  }
0x24: {  	s15 =	sand.u32 @!p1 $0x1000, s16;
	s16 =	sadd.s32 @!p1 s6, s17;
	s14 =	sshll.u32 @!p1 s14, $0x4  }
0x25: {  	s17 =	simm.s32 @!p1 $0x6400;
	s14 =	sadd.s32 @!p1 s14, s16;
	s16 =	simm.s32 @!p1 $0x20  }
0x26: {  	[tilespmem:s15], [sflag:$0x1] =	stream.strided.gather @!p1 [hbm4b:s14+s16], $0x1000, s17, s16, $0x38;
	[tilespmem:$0x4040] =	vst v63  }
0x27: {  	p1 =	sge.u32 s31, s5  }
.Ltmp2:
0x28: {  	_ = 	snop;
	(pc) =	sbr.rel @p1 .LBB1_5-.Ltmp2, $1  }
0x29: {  	_ =	sdelay $0x3  }
0x2a: {  	s14 =	simm.s32 $0x1  }
0x2b: {  	_ =	swait.ge [sflag:s4], $0x1000;
	s14 =	simm.s32 @!p0 $0x0  }
0x2c: {  	[sflag:s4] =	ssyncset.done $0x0;
	s15 =	sshll.u32 s14, $0xC  }
0x2d: {  	[sflag:s4] =	ssyncadd.s32 $0xFFFFF000;
	s18 =	sor.u32 $0x10, s15  }
0x2e: {  	s14 =	smul.u32 $0x4080, s14;
	v1 =	vld [tilespmem:s18+$0x0]  }
0x2f: {  	s30 =	sand.u32 $0x1, s11;
	v0 =	vld [tilespmem:s18+$0xFFFFFFF0]  }
0x30: {  	s15 =	smul.u32 $0x4080, s30;
	s14 =	sshrl.u32 s14, $0x2  }
0x31: {  	s16 =	sor.u32 $0x2000, s14  }
0x32: {  	s31 =	sshrl.u32 s15, $0x2;
	s15 =	sadd.s32 $0x0, s16  }
0x33: {  	s17 =	simm.s32 $0x4;
	s18 =	sadd.s32 $0x20, s18;
	s14 =	sor.u32 $0x2000, s31;
	[tilespmem:s15+$0x810 ss:$0x81] =	vst.msk $0xffff, v1  }
.LBB1_3:
0x34: {  	v1 =	vld [tilespmem:s18+$0x0];
	p1 =	sne.s32 s17, $0x1FC;
	[tilespmem:s15+$0x0 ss:$0x81] =	vst.msk $0xffff, v0;
	s15 =	smov.u32 s17;
	s17 =	sadd.s32 $0x4, s17  }
.Ltmp3:
0x35: {  	v0 =	vld [tilespmem:s18+$0xFFFFFFF0];
	(pc) =	sbr.rel @p1 .LBB1_3-.Ltmp3, $4  }
0x36: {  	_ = 	snop  }
0x37: {  	s15 =	sshra.s32 s15, $0x2  }
0x38: {  	s15 =	sadd.s32 s15, s16  }
0x39: {  	s18 =	sadd.s32 $0x20, s18;
	[tilespmem:s15+$0x810 ss:$0x81] =	vst.msk $0xffff, v1  }
.Ltmp4:
0x3a: {  	_ = 	snop;
	(pc) =	sbr.rel .LBB1_4-.Ltmp4, $1  }
0x3b: {  	_ =	sdelay $0x3  }
.LBB1_6:
0x3c: {  	_ =	sfence.sel $0x180000  }
0x3d: {  	s2 =	simm.s32 $0x1;
	[bflag:$0x0] =	sbarrier.arrive $0xFFFF  }
0x3e: {  	s31 =	simm.s32 $0x2;
	[sflag:s2] =	ssyncpa.u1 $0x1  }
0x3f: {  	[sflag:s31] =	ssyncpa.u1 $0x1  }
0x40: {  	p0 =	sne.s32 s0, $0x0;
	_ =	strace $0x9000004A  }
0x41: {  	s0 =	sadd.s32 @!p0 $0x100000, s1;
	[bflag:$0x2] =	sbarrier.arrive $0xFFFF  }
0x42: {  	[sflag:s0] =	ssyncadd.tile.s32 @!p0 $0x1;
	_ =	shalt  }
.Lfunc_end1:
_tile_overlayer_lowered:
.L_overlay_start_2:
0x43: {  	(tag) =	ssettag $0x2  }
0x44: {  	s0 =	rddreg [dreg:$0x0];
	s2 =	stileid.u32  }
0x45: {  	s1 =	rddreg [dreg:$0x1];
	p0 =	sne.s32 s2, $0x0  }
0x46: {  	s3 =	rddreg [dreg:$0x2];
	[bflag:$0x3] =	sbarrier.arrive $0xFFFF;
	s2 =	simm.s32 @!p0 $0x1C01  }
0x47: {  	[timem:s3], [sflag:s2] =	dma.local @!p0 [hbm:s0], s1  }
0x48: {  	s0 =	simm.s32 @!p0 $0x1  }
0x49: {  	_ =	swait.ge @!p0 [sflag:s0], s1  }
0x4a: {  	s1 =	ssub.s32 @!p0 $0x0, s1;
	[sflag:s0] =	ssyncset.done @!p0 $0x0  }
0x4b: {  	[sflag:s0] =	ssyncadd.s32 @!p0 s1  }
0x4c: {  	[bflag:$0x3] =	sbarrier.arrive $0xFFFF  }
0x4d: {  	_ =	shalt  }

</sc_bundles>
